<compile_context>
chip_gen: v7x
topology: tpu7x:2x2x1
jax: 0.10.2.dev20260603
libtpu: 0.0.44.dev20260713+nightly
codegen_flags: <defaults>
</compile_context>

<pallas_src>
import functools

import jax
import jax.numpy as jnp
from jax import lax
from jax.experimental import pallas as pl
from jax.experimental.pallas import tpu as pltpu
from jax.experimental.pallas import tpu_sc as plsc

N_NODES = 10000
N_EDGES = 320000
NFEAT = 128
BN_EPS = 1e-5

NC = 2
NS = 16
NW = NC * NS
EDGES_PER_TILE = N_EDGES // NW
CHUNK = 80
NCHUNK = EDGES_PER_TILE // CHUNK
STRIPE = 640
N_PAD = NS * STRIPE
TAIL = N_NODES - (NS - 1) * STRIPE
ZROWS = 8


def _sc_segment_sum(x, packed_r):
    mesh = plsc.VectorSubcoreMesh(core_axis_name="c", subcore_axis_name="s")

    @functools.partial(
        pl.kernel,
        mesh=mesh,
        out_type=jax.ShapeDtypeStruct((N_NODES, NC * NFEAT), jnp.float32),
        scratch_types=[
            pltpu.VMEM((NCHUNK, CHUNK), jnp.int32),
            pltpu.VMEM((3, CHUNK), jnp.int32),
            pltpu.VMEM((3, CHUNK), jnp.int32),
            pltpu.VMEM((CHUNK, NFEAT), jnp.float32),
            pltpu.VMEM((CHUNK, NFEAT), jnp.float32),
            pltpu.VMEM((CHUNK, NFEAT), jnp.float32),
            pltpu.VMEM((ZROWS, NFEAT), jnp.float32),
            pltpu.VMEM_SHARED((N_PAD, NFEAT), jnp.float32),
            pltpu.SemaphoreType.DMA,
            pltpu.SemaphoreType.DMA,
            pltpu.SemaphoreType.DMA,
            pltpu.SemaphoreType.DMA,
            pltpu.SemaphoreType.DMA,
            pltpu.SemaphoreType.DMA,
            pltpu.SemaphoreType.DMA,
            pltpu.SemaphoreType.DMA,
        ],
    )
    def seg_sum(x_hbm, pk_hbm, out_hbm, pk_v, src_v, dst_v,
                rows0, rows1, rows2, zbuf, acc,
                gs0, gs1, gs2, ss0, ss1, ss2, isem, zsem):
        c = lax.axis_index("c")
        s = lax.axis_index("s")
        wid = c * NS + s
        row0 = s * STRIPE
        last = s == NS - 1

        pltpu.async_copy(pk_hbm.at[wid], pk_v, isem)

        @pl.when(c == 0)
        def _():
            @pl.when(jnp.logical_not(last))
            def _():
                pltpu.sync_copy(x_hbm.at[pl.ds(row0, STRIPE)],
                                acc.at[pl.ds(row0, STRIPE)])

            @pl.when(last)
            def _():
                pltpu.sync_copy(x_hbm.at[pl.ds(row0, TAIL)],
                                acc.at[pl.ds(row0, TAIL)])

        @pl.when(c != 0)
        def _():
            zv = jnp.zeros((16,), jnp.float32)
            for r in range(ZROWS):
                for j in range(NFEAT // 16):
                    zbuf[r, pl.ds(j * 16, 16)] = zv

            nzb = jnp.where(last, TAIL // ZROWS, STRIPE // ZROWS)

            def zb(i, _):
                pltpu.async_copy(zbuf, acc.at[pl.ds(row0 + i * ZROWS, ZROWS)], zsem)
                return 0

            lax.fori_loop(0, nzb, zb, 0)

            def zw(i, _):
                pltpu.make_async_copy(zbuf, acc.at[pl.ds(row0, ZROWS)], zsem).wait()
                return 0

            lax.fori_loop(0, nzb, zw, 0)

        plsc.subcore_barrier()

        pltpu.make_async_copy(pk_hbm.at[wid], pk_v, isem).wait()

        rows = (rows0, rows1, rows2)
        gsem = (gs0, gs1, gs2)
        ssem = (ss0, ss1, ss2)

        def unpack(j, b):
            for k in range(CHUNK // 16):
                v = pk_v[j, pl.ds(k * 16, 16)]
                src_v[b, pl.ds(k * 16, 16)] = lax.shift_right_logical(v, 16)
                dst_v[b, pl.ds(k * 16, 16)] = lax.bitwise_and(v, 0xFFFF)

        def start_gather(b):
            pltpu.async_copy(x_hbm.at[src_v.at[b]], rows[b], gsem[b])

        def wait_gather(b):
            pltpu.make_async_copy(x_hbm.at[pl.ds(0, CHUNK)], rows[b], gsem[b]).wait()

        def start_scatter(b):
            pltpu.async_copy(rows[b], acc.at[dst_v.at[b]], ssem[b], add=True)

        def wait_scatter(b):
            pltpu.make_async_copy(rows[b], acc.at[pl.ds(0, CHUNK)], ssem[b]).wait()

        unpack(0, 0)
        start_gather(0)
        unpack(1, 1)
        start_gather(1)

        def triple(i, _):
            for k in range(3):
                j = 3 * i + k
                bp = (k + 2) % 3

                @pl.when(j < NCHUNK)
                def _():
                    wait_gather(k)
                    start_scatter(k)

                @pl.when(j + 2 < NCHUNK)
                def _():
                    @pl.when(j >= 1)
                    def _():
                        wait_scatter(bp)

                    unpack(j + 2, bp)
                    start_gather(bp)

            return 0

        lax.fori_loop(0, (NCHUNK + 2) // 3, triple, 0)

        wait_scatter((NCHUNK - 3) % 3)
        wait_scatter((NCHUNK - 2) % 3)
        wait_scatter((NCHUNK - 1) % 3)

        plsc.subcore_barrier()

        def wb(col0):
            @pl.when(jnp.logical_not(last))
            def _():
                pltpu.sync_copy(acc.at[pl.ds(row0, STRIPE)],
                                out_hbm.at[pl.ds(row0, STRIPE), pl.ds(col0, NFEAT)])

            @pl.when(last)
            def _():
                pltpu.sync_copy(acc.at[pl.ds(row0, TAIL)],
                                out_hbm.at[pl.ds(row0, TAIL), pl.ds(col0, NFEAT)])

        @pl.when(c == 0)
        def _():
            wb(0)

        @pl.when(c != 0)
        def _():
            wb(NFEAT)

    return seg_sum(x, packed_r)


def _tc_mlp(p, W1, b1, s1, t1, W2, b2, Wfc, bfc):
    R = 2000
    dn = (((1,), (1,)), ((), ()))

    def body(p_ref, w1_ref, b1_ref, s1_ref, t1_ref, w2_ref, b2_ref, wfc_ref,
             bfc_ref, out_ref):
        h = p_ref[:, :NFEAT] + p_ref[:, NFEAT:]
        z1 = jnp.maximum(
            lax.dot_general(h, w1_ref[...], dn, preferred_element_type=jnp.float32)
            + b1_ref[...], 0.0)
        bn1 = z1 * s1_ref[...] + t1_ref[...]
        z2 = jnp.maximum(
            lax.dot_general(bn1, w2_ref[...], dn, preferred_element_type=jnp.float32)
            + b2_ref[...], 0.0)
        out_ref[...] = jnp.sum(z2 * wfc_ref[...], axis=1, keepdims=True) + bfc_ref[...]

    vec = lambda i: (0, 0)
    return pl.pallas_call(
        body,
        grid=(N_NODES // R,),
        in_specs=[
            pl.BlockSpec((R, NC * NFEAT), lambda i: (i, 0)),
            pl.BlockSpec((NFEAT, NFEAT), vec),
            pl.BlockSpec((1, NFEAT), vec),
            pl.BlockSpec((1, NFEAT), vec),
            pl.BlockSpec((1, NFEAT), vec),
            pl.BlockSpec((NFEAT, NFEAT), vec),
            pl.BlockSpec((1, NFEAT), vec),
            pl.BlockSpec((1, NFEAT), vec),
            pl.BlockSpec((1, 1), vec),
        ],
        out_specs=pl.BlockSpec((R, 1), lambda i: (i, 0)),
        out_shape=jax.ShapeDtypeStruct((N_NODES, 1), jnp.float32),
    )(p, W1, b1, s1, t1, W2, b2, Wfc, bfc)


def kernel(x, edge_index, W1, b1, g1, beta1, m1, v1, W2, b2, g2, beta2, m2, v2, Wfc, bfc):
    packed = jnp.bitwise_or(jnp.left_shift(edge_index[0], 16), edge_index[1])
    packed_r = packed.reshape(NW, NCHUNK, CHUNK)
    p = _sc_segment_sum(x, packed_r)

    s1 = (g1 * lax.rsqrt(v1 + BN_EPS)).reshape(1, NFEAT)
    t1 = (beta1 - m1 * g1 * lax.rsqrt(v1 + BN_EPS)).reshape(1, NFEAT)
    s2 = g2 * lax.rsqrt(v2 + BN_EPS)
    t2 = beta2 - m2 * s2
    wfc = Wfc * s2[None, :]
    bfc_f = (Wfc @ t2 + bfc).reshape(1, 1)
    return _tc_mlp(p, W1, b1.reshape(1, NFEAT), s1, t1, W2,
                   b2.reshape(1, NFEAT), wfc, bfc_f)

# --- scband reference (transcript-rebuilt; emitter-appended) ---
"""Pipeline reference for scband-gin-49280454754468 (READ-ONLY COPY).

The authoritative reference and input builder live on the scoring server;
editing this copy changes nothing except your own understanding.
"""

import jax, jax.numpy as jnp
import numpy as np

N_NODES = 10000
N_EDGES = 320000
NFEAT = 128
NHID = 128
BN_EPS = 1e-5


def _xavier_uniform(key, shape):
    fan_out, fan_in = shape
    bound = float(np.sqrt(6.0 / (fan_in + fan_out)))
    return jax.random.uniform(key, shape, minval=-bound, maxval=bound, dtype=jnp.float32)


def setup_inputs(seed: int = 0) -> dict:
    key = jax.random.key(seed)
    ks = jax.random.split(key, 8)
    x = jax.random.normal(ks[0], (N_NODES, NFEAT), dtype=jnp.float32)
    edge_index = jax.random.randint(ks[1], (2, N_EDGES), 0, N_NODES, dtype=jnp.int32)
    W1 = _xavier_uniform(ks[2], (NHID, NFEAT))
    b1 = jnp.zeros((NHID,), dtype=jnp.float32)
    g1 = jnp.ones((NHID,), dtype=jnp.float32)
    beta1 = jnp.zeros((NHID,), dtype=jnp.float32)
    m1 = jnp.zeros((NHID,), dtype=jnp.float32)
    v1 = jnp.ones((NHID,), dtype=jnp.float32)
    W2 = _xavier_uniform(ks[3], (NHID, NHID))
    b2 = jnp.zeros((NHID,), dtype=jnp.float32)
    g2 = jnp.ones((NHID,), dtype=jnp.float32)
    beta2 = jnp.zeros((NHID,), dtype=jnp.float32)
    m2 = jnp.zeros((NHID,), dtype=jnp.float32)
    v2 = jnp.ones((NHID,), dtype=jnp.float32)
    Wfc = _xavier_uniform(ks[4], (1, NHID))
    bfc = jnp.zeros((1,), dtype=jnp.float32)
    return {"x": x, "edge_index": edge_index, "W1": W1, "b1": b1, "g1": g1, "beta1": beta1, "m1": m1, "v1": v1, "W2": W2, "b2": b2, "g2": g2, "beta2": beta2, "m2": m2, "v2": v2, "Wfc": Wfc, "bfc": bfc}


def _bn_eval(h, g, b, m, v):
    return (h - m) / jnp.sqrt(v + BN_EPS) * g + b


def reference(x, edge_index, W1, b1, g1, beta1, m1, v1, W2, b2, g2, beta2, m2, v2, Wfc, bfc):
    src = edge_index[0]
    dst = edge_index[1]
    # GINConv aggregation: (1 + eps) * x_i + sum_{j in N(i)} x_j, eps = 0
    agg = jax.ops.segment_sum(jnp.take(x, src, axis=0), dst, num_segments=N_NODES)
    h = x + agg
    # MLP: Linear -> ReLU -> BatchNorm1d(eval) -> Linear -> ReLU -> BatchNorm1d(eval)
    h = jax.nn.relu(h @ W1.T + b1)
    h = _bn_eval(h, g1, beta1, m1, v1)
    h = jax.nn.relu(h @ W2.T + b2)
    h = _bn_eval(h, g2, beta2, m2, v2)
    # dropout is identity in eval mode
    out = h @ Wfc.T + bfc
    return out

if __name__ == "__main__":
    import jax
    _d = setup_inputs()
    print(jax.jit(kernel)(*tuple(_d.values())))

</pallas_src>

<mosaic_0001>
#map = affine_map<(d0, d1) -> (0, 0)>
#map1 = affine_map<(d0, d1) -> (0, 0, 0)>
module attributes {stable_mosaic.version = 14 : i64} {
  func.func @seg_sum(%arg0: i32, %arg1: i32, %arg2: memref<10000x128xf32, #tpu.memory_space<hbm>>, %arg3: memref<32x125x80xi32, #tpu.memory_space<hbm>>, %arg4: memref<10000x256xf32, #tpu.memory_space<hbm>>, %arg5: memref<125x80xi32, #tpu.memory_space<vmem>>, %arg6: memref<3x80xi32, #tpu.memory_space<vmem>>, %arg7: memref<3x80xi32, #tpu.memory_space<vmem>>, %arg8: memref<80x128xf32, #tpu.memory_space<vmem>>, %arg9: memref<80x128xf32, #tpu.memory_space<vmem>>, %arg10: memref<80x128xf32, #tpu.memory_space<vmem>>, %arg11: memref<8x128xf32, #tpu.memory_space<vmem>>, %arg12: memref<10240x128xf32, #tpu.memory_space<vmem_shared>>, %arg13: memref<!tpu.dma_semaphore, #tpu.memory_space<semaphore_mem>>, %arg14: memref<!tpu.dma_semaphore, #tpu.memory_space<semaphore_mem>>, %arg15: memref<!tpu.dma_semaphore, #tpu.memory_space<semaphore_mem>>, %arg16: memref<!tpu.dma_semaphore, #tpu.memory_space<semaphore_mem>>, %arg17: memref<!tpu.dma_semaphore, #tpu.memory_space<semaphore_mem>>, %arg18: memref<!tpu.dma_semaphore, #tpu.memory_space<semaphore_mem>>, %arg19: memref<!tpu.dma_semaphore, #tpu.memory_space<semaphore_mem>>, %arg20: memref<!tpu.dma_semaphore, #tpu.memory_space<semaphore_mem>>) attributes {dimension_semantics = [#tpu.dimension_semantics<core_parallel>, #tpu.dimension_semantics<subcore_parallel>], iteration_bounds = array<i64: 2, 16>, scalar_prefetch = 0 : i64, scratch_operands = 16 : i64, tpu.core_type = #tpu.core_type<sc_vector_subcore>, window_params = [{transform_indices = #map}, {transform_indices = #map1}, {transform_indices = #map}]} {
    %mul3A = arith.constant 16 : i32
    %mul3A_0 = arith.muli %arg0, %mul3A : i32
    %add3A = arith.addi %mul3A_0, %arg1 : i32
    %mul3A_1 = arith.constant 640 : i32
    %mul3A_2 = arith.muli %arg1, %mul3A_1 : i32
    %eq3A = arith.constant 15 : i32
    %eq3A_3 = arith.cmpi eq, %arg1, %eq3A : i32
    %dma_start3A = arith.constant 0 : i32
    %dma_start3A_4 = arith.constant 0 : i32
    %dma_start3A_5 = tpu.memref_slice %arg3[%add3A, %dma_start3A, %dma_start3A_4] : memref<32x125x80xi32, #tpu.memory_space<hbm>> -> memref<1x125x80xi32, #tpu.memory_space<hbm>>
    %dma_start3A_6 = tpu.memref_squeeze %dma_start3A_5 : memref<1x125x80xi32, #tpu.memory_space<hbm>> -> memref<125x80xi32, #tpu.memory_space<hbm>>
    %dma_start3A_7 = arith.constant 0 : i32
    %dma_start3A_8 = arith.constant 0 : i32
    %dma_start3A_9 = tpu.memref_slice %arg3[%add3A, %dma_start3A_7, %dma_start3A_8] : memref<32x125x80xi32, #tpu.memory_space<hbm>> -> memref<1x125x80xi32, #tpu.memory_space<hbm>>
    %dma_start3A_10 = tpu.memref_squeeze %dma_start3A_9 : memref<1x125x80xi32, #tpu.memory_space<hbm>> -> memref<125x80xi32, #tpu.memory_space<hbm>>
    tpu.enqueue_dma source(%dma_start3A_10 : memref<125x80xi32, #tpu.memory_space<hbm>>) target(%arg5 : memref<125x80xi32, #tpu.memory_space<vmem>>) target_semaphore(%arg19 : memref<!tpu.dma_semaphore, #tpu.memory_space<semaphore_mem>>)
    %eq3A_11 = arith.constant 0 : i32
    %eq3A_12 = arith.cmpi eq, %arg0, %eq3A_11 : i32
    %convert_element_type3A = arith.extui %eq3A_12 : i1 to i32
    %cond3A = arith.constant 0 : i32
    %cond3A_13 = arith.cmpi ne, %convert_element_type3A, %cond3A : i32
    scf.if %cond3A_13 {
      %not3A = arith.constant true
      %not3A_300 = arith.xori %eq3A_3, %not3A : i1
      %convert_element_type3A_301 = arith.extui %not3A_300 : i1 to i32
      %cond3A_302 = arith.constant 0 : i32
      %cond3A_303 = arith.cmpi ne, %convert_element_type3A_301, %cond3A_302 : i32
      scf.if %cond3A_303 {
        "tpu.region"() ({
          %run_scoped3A = tpu.sem_alloc : memref<!tpu.dma_semaphore, #tpu.memory_space<semaphore_mem>>
          %dma_start3A_307 = arith.constant 0 : i32
          %dma_start3A_308 = tpu.memref_slice %arg12[%mul3A_2, %dma_start3A_307] : memref<10240x128xf32, #tpu.memory_space<vmem_shared>> -> memref<640x128xf32, #tpu.memory_space<vmem_shared>>
          %dma_start3A_309 = arith.constant 0 : i32
          %dma_start3A_310 = tpu.memref_slice %arg2[%mul3A_2, %dma_start3A_309] : memref<10000x128xf32, #tpu.memory_space<hbm>> -> memref<640x128xf32, #tpu.memory_space<hbm>>
          tpu.enqueue_dma source(%dma_start3A_310 : memref<640x128xf32, #tpu.memory_space<hbm>>) target(%dma_start3A_308 : memref<640x128xf32, #tpu.memory_space<vmem_shared>>) target_semaphore(%run_scoped3A : memref<!tpu.dma_semaphore, #tpu.memory_space<semaphore_mem>>)
          %dma_wait3A_311 = arith.constant 0 : i32
          %dma_wait3A_312 = tpu.memref_slice %arg12[%mul3A_2, %dma_wait3A_311] : memref<10240x128xf32, #tpu.memory_space<vmem_shared>> -> memref<640x128xf32, #tpu.memory_space<vmem_shared>>
          %dma_wait3A_313 = arith.constant 0 : i32
          %dma_wait3A_314 = tpu.memref_slice %arg2[%mul3A_2, %dma_wait3A_313] : memref<10000x128xf32, #tpu.memory_space<hbm>> -> memref<640x128xf32, #tpu.memory_space<hbm>>
          tpu.wait_dma2 semaphore(%run_scoped3A : memref<!tpu.dma_semaphore, #tpu.memory_space<semaphore_mem>>) src(%dma_wait3A_314 : memref<640x128xf32, #tpu.memory_space<hbm>>) dst(%dma_wait3A_312 : memref<640x128xf32, #tpu.memory_space<vmem_shared>>)
          tpu.yield
        }) : () -> ()
      } else {
      }
      %convert_element_type3A_304 = arith.extui %eq3A_3 : i1 to i32
      %cond3A_305 = arith.constant 0 : i32
      %cond3A_306 = arith.cmpi ne, %convert_element_type3A_304, %cond3A_305 : i32
      scf.if %cond3A_306 {
        "tpu.region"() ({
          %run_scoped3A = tpu.sem_alloc : memref<!tpu.dma_semaphore, #tpu.memory_space<semaphore_mem>>
          %dma_start3A_307 = arith.constant 0 : i32
          %dma_start3A_308 = tpu.memref_slice %arg12[%mul3A_2, %dma_start3A_307] : memref<10240x128xf32, #tpu.memory_space<vmem_shared>> -> memref<400x128xf32, #tpu.memory_space<vmem_shared>>
          %dma_start3A_309 = arith.constant 0 : i32
          %dma_start3A_310 = tpu.memref_slice %arg2[%mul3A_2, %dma_start3A_309] : memref<10000x128xf32, #tpu.memory_space<hbm>> -> memref<400x128xf32, #tpu.memory_space<hbm>>
          tpu.enqueue_dma source(%dma_start3A_310 : memref<400x128xf32, #tpu.memory_space<hbm>>) target(%dma_start3A_308 : memref<400x128xf32, #tpu.memory_space<vmem_shared>>) target_semaphore(%run_scoped3A : memref<!tpu.dma_semaphore, #tpu.memory_space<semaphore_mem>>)
          %dma_wait3A_311 = arith.constant 0 : i32
          %dma_wait3A_312 = tpu.memref_slice %arg12[%mul3A_2, %dma_wait3A_311] : memref<10240x128xf32, #tpu.memory_space<vmem_shared>> -> memref<400x128xf32, #tpu.memory_space<vmem_shared>>
          %dma_wait3A_313 = arith.constant 0 : i32
          %dma_wait3A_314 = tpu.memref_slice %arg2[%mul3A_2, %dma_wait3A_313] : memref<10000x128xf32, #tpu.memory_space<hbm>> -> memref<400x128xf32, #tpu.memory_space<hbm>>
          tpu.wait_dma2 semaphore(%run_scoped3A : memref<!tpu.dma_semaphore, #tpu.memory_space<semaphore_mem>>) src(%dma_wait3A_314 : memref<400x128xf32, #tpu.memory_space<hbm>>) dst(%dma_wait3A_312 : memref<400x128xf32, #tpu.memory_space<vmem_shared>>)
          tpu.yield
        }) : () -> ()
      } else {
      }
    } else {
    }
    %ne3A = arith.constant 0 : i32
    %ne3A_14 = arith.cmpi ne, %arg0, %ne3A : i32
    %convert_element_type3A_15 = arith.extui %ne3A_14 : i1 to i32
    %cond3A_16 = arith.constant 0 : i32
    %cond3A_17 = arith.cmpi ne, %convert_element_type3A_15, %cond3A_16 : i32
    scf.if %cond3A_17 {
      %broadcast_in_dim3A = arith.constant 0.000000e+00 : f32
      %broadcast_in_dim3A_300 = vector.broadcast %broadcast_in_dim3A : f32 to vector<16xf32>
      %swap3A_301 = arith.constant 0 : i32
      %swap3A_302 = arith.index_cast %swap3A_301 : i32 to index
      %swap3A_303 = arith.constant 0 : index
      %swap3A_304 = tpu.vector_load %arg11[%swap3A_302, %swap3A_303] {strides = array<i32>} : memref<8x128xf32, #tpu.memory_space<vmem>>, vector<1x16xf32>,
      %swap3A_305 = vector.shape_cast %swap3A_304 : vector<1x16xf32> to vector<16xf32>
      %swap3A_306 = vector.shape_cast %broadcast_in_dim3A_300 : vector<16xf32> to vector<1x16xf32>
      tpu.vector_store %arg11[%swap3A_302, %swap3A_303], %swap3A_306 {strides = array<i32>} : memref<8x128xf32, #tpu.memory_space<vmem>>, vector<1x16xf32>,
      %swap3A_307 = arith.constant 0 : i32
      %swap3A_308 = arith.index_cast %swap3A_307 : i32 to index
      %swap3A_309 = arith.constant 16 : index
      %swap3A_310 = tpu.vector_load %arg11[%swap3A_308, %swap3A_309] {strides = array<i32>} : memref<8x128xf32, #tpu.memory_space<vmem>>, vector<1x16xf32>,
      %swap3A_311 = vector.shape_cast %swap3A_310 : vector<1x16xf32> to vector<16xf32>
      %swap3A_312 = vector.shape_cast %broadcast_in_dim3A_300 : vector<16xf32> to vector<1x16xf32>
      tpu.vector_store %arg11[%swap3A_308, %swap3A_309], %swap3A_312 {strides = array<i32>} : memref<8x128xf32, #tpu.memory_space<vmem>>, vector<1x16xf32>,
      %swap3A_313 = arith.constant 0 : i32
      %swap3A_314 = arith.index_cast %swap3A_313 : i32 to index
      %swap3A_315 = arith.constant 32 : index
      %swap3A_316 = tpu.vector_load %arg11[%swap3A_314, %swap3A_315] {strides = array<i32>} : memref<8x128xf32, #tpu.memory_space<vmem>>, vector<1x16xf32>,
      %swap3A_317 = vector.shape_cast %swap3A_316 : vector<1x16xf32> to vector<16xf32>
      %swap3A_318 = vector.shape_cast %broadcast_in_dim3A_300 : vector<16xf32> to vector<1x16xf32>
      tpu.vector_store %arg11[%swap3A_314, %swap3A_315], %swap3A_318 {strides = array<i32>} : memref<8x128xf32, #tpu.memory_space<vmem>>, vector<1x16xf32>,
      %swap3A_319 = arith.constant 0 : i32
      %swap3A_320 = arith.index_cast %swap3A_319 : i32 to index
      %swap3A_321 = arith.constant 48 : index
      %swap3A_322 = tpu.vector_load %arg11[%swap3A_320, %swap3A_321] {strides = array<i32>} : memref<8x128xf32, #tpu.memory_space<vmem>>, vector<1x16xf32>,
      %swap3A_323 = vector.shape_cast %swap3A_322 : vector<1x16xf32> to vector<16xf32>
      %swap3A_324 = vector.shape_cast %broadcast_in_dim3A_300 : vector<16xf32> to vector<1x16xf32>
      tpu.vector_store %arg11[%swap3A_320, %swap3A_321], %swap3A_324 {strides = array<i32>} : memref<8x128xf32, #tpu.memory_space<vmem>>, vector<1x16xf32>,
      %swap3A_325 = arith.constant 0 : i32
      %swap3A_326 = arith.index_cast %swap3A_325 : i32 to index
      %swap3A_327 = arith.constant 64 : index
      %swap3A_328 = tpu.vector_load %arg11[%swap3A_326, %swap3A_327] {strides = array<i32>} : memref<8x128xf32, #tpu.memory_space<vmem>>, vector<1x16xf32>,
      %swap3A_329 = vector.shape_cast %swap3A_328 : vector<1x16xf32> to vector<16xf32>
      %swap3A_330 = vector.shape_cast %broadcast_in_dim3A_300 : vector<16xf32> to vector<1x16xf32>
      tpu.vector_store %arg11[%swap3A_326, %swap3A_327], %swap3A_330 {strides = array<i32>} : memref<8x128xf32, #tpu.memory_space<vmem>>, vector<1x16xf32>,
      %swap3A_331 = arith.constant 0 : i32
      %swap3A_332 = arith.index_cast %swap3A_331 : i32 to index
      %swap3A_333 = arith.constant 80 : index
      %swap3A_334 = tpu.vector_load %arg11[%swap3A_332, %swap3A_333] {strides = array<i32>} : memref<8x128xf32, #tpu.memory_space<vmem>>, vector<1x16xf32>,
      %swap3A_335 = vector.shape_cast %swap3A_334 : vector<1x16xf32> to vector<16xf32>
      %swap3A_336 = vector.shape_cast %broadcast_in_dim3A_300 : vector<16xf32> to vector<1x16xf32>
      tpu.vector_store %arg11[%swap3A_332, %swap3A_333], %swap3A_336 {strides = array<i32>} : memref<8x128xf32, #tpu.memory_space<vmem>>, vector<1x16xf32>,
      %swap3A_337 = arith.constant 0 : i32
      %swap3A_338 = arith.index_cast %swap3A_337 : i32 to index
      %swap3A_339 = arith.constant 96 : index
      %swap3A_340 = tpu.vector_load %arg11[%swap3A_338, %swap3A_339] {strides = array<i32>} : memref<8x128xf32, #tpu.memory_space<vmem>>, vector<1x16xf32>,
      %swap3A_341 = vector.shape_cast %swap3A_340 : vector<1x16xf32> to vector<16xf32>
      %swap3A_342 = vector.shape_cast %broadcast_in_dim3A_300 : vector<16xf32> to vector<1x16xf32>
      tpu.vector_store %arg11[%swap3A_338, %swap3A_339], %swap3A_342 {strides = array<i32>} : memref<8x128xf32, #tpu.memory_space<vmem>>, vector<1x16xf32>,
      %swap3A_343 = arith.constant 0 : i32
      %swap3A_344 = arith.index_cast %swap3A_343 : i32 to index
      %swap3A_345 = arith.constant 112 : index
      %swap3A_346 = tpu.vector_load %arg11[%swap3A_344, %swap3A_345] {strides = array<i32>} : memref<8x128xf32, #tpu.memory_space<vmem>>, vector<1x16xf32>,
      %swap3A_347 = vector.shape_cast %swap3A_346 : vector<1x16xf32> to vector<16xf32>
      %swap3A_348 = vector.shape_cast %broadcast_in_dim3A_300 : vector<16xf32> to vector<1x16xf32>
      tpu.vector_store %arg11[%swap3A_344, %swap3A_345], %swap3A_348 {strides = array<i32>} : memref<8x128xf32, #tpu.memory_space<vmem>>, vector<1x16xf32>,
      %swap3A_349 = arith.constant 1 : i32
      %swap3A_350 = arith.index_cast %swap3A_349 : i32 to index
      %swap3A_351 = arith.constant 0 : index
      %swap3A_352 = tpu.vector_load %arg11[%swap3A_350, %swap3A_351] {strides = array<i32>} : memref<8x128xf32, #tpu.memory_space<vmem>>, vector<1x16xf32>,
      %swap3A_353 = vector.shape_cast %swap3A_352 : vector<1x16xf32> to vector<16xf32>
      %swap3A_354 = vector.shape_cast %broadcast_in_dim3A_300 : vector<16xf32> to vector<1x16xf32>
      tpu.vector_store %arg11[%swap3A_350, %swap3A_351], %swap3A_354 {strides = array<i32>} : memref<8x128xf32, #tpu.memory_space<vmem>>, vector<1x16xf32>,
      %swap3A_355 = arith.constant 1 : i32
      %swap3A_356 = arith.index_cast %swap3A_355 : i32 to index
      %swap3A_357 = arith.constant 16 : index
      %swap3A_358 = tpu.vector_load %arg11[%swap3A_356, %swap3A_357] {strides = array<i32>} : memref<8x128xf32, #tpu.memory_space<vmem>>, vector<1x16xf32>,
      %swap3A_359 = vector.shape_cast %swap3A_358 : vector<1x16xf32> to vector<16xf32>
      %swap3A_360 = vector.shape_cast %broadcast_in_dim3A_300 : vector<16xf32> to vector<1x16xf32>
      tpu.vector_store %arg11[%swap3A_356, %swap3A_357], %swap3A_360 {strides = array<i32>} : memref<8x128xf32, #tpu.memory_space<vmem>>, vector<1x16xf32>,
      %swap3A_361 = arith.constant 1 : i32
      %swap3A_362 = arith.index_cast %swap3A_361 : i32 to index
      %swap3A_363 = arith.constant 32 : index
      %swap3A_364 = tpu.vector_load %arg11[%swap3A_362, %swap3A_363] {strides = array<i32>} : memref<8x128xf32, #tpu.memory_space<vmem>>, vector<1x16xf32>,
      %swap3A_365 = vector.shape_cast %swap3A_364 : vector<1x16xf32> to vector<16xf32>
      %swap3A_366 = vector.shape_cast %broadcast_in_dim3A_300 : vector<16xf32> to vector<1x16xf32>
      tpu.vector_store %arg11[%swap3A_362, %swap3A_363], %swap3A_366 {strides = array<i32>} : memref<8x128xf32, #tpu.memory_space<vmem>>, vector<1x16xf32>,
      %swap3A_367 = arith.constant 1 : i32
      %swap3A_368 = arith.index_cast %swap3A_367 : i32 to index
      %swap3A_369 = arith.constant 48 : index
      %swap3A_370 = tpu.vector_load %arg11[%swap3A_368, %swap3A_369] {strides = array<i32>} : memref<8x128xf32, #tpu.memory_space<vmem>>, vector<1x16xf32>,
      %swap3A_371 = vector.shape_cast %swap3A_370 : vector<1x16xf32> to vector<16xf32>
      %swap3A_372 = vector.shape_cast %broadcast_in_dim3A_300 : vector<16xf32> to vector<1x16xf32>
      tpu.vector_store %arg11[%swap3A_368, %swap3A_369], %swap3A_372 {strides = array<i32>} : memref<8x128xf32, #tpu.memory_space<vmem>>, vector<1x16xf32>,
      %swap3A_373 = arith.constant 1 : i32
      %swap3A_374 = arith.index_cast %swap3A_373 : i32 to index
      %swap3A_375 = arith.constant 64 : index
      %swap3A_376 = tpu.vector_load %arg11[%swap3A_374, %swap3A_375] {strides = array<i32>} : memref<8x128xf32, #tpu.memory_space<vmem>>, vector<1x16xf32>,
      %swap3A_377 = vector.shape_cast %swap3A_376 : vector<1x16xf32> to vector<16xf32>
      %swap3A_378 = vector.shape_cast %broadcast_in_dim3A_300 : vector<16xf32> to vector<1x16xf32>
      tpu.vector_store %arg11[%swap3A_374, %swap3A_375], %swap3A_378 {strides = array<i32>} : memref<8x128xf32, #tpu.memory_space<vmem>>, vector<1x16xf32>,
      %swap3A_379 = arith.constant 1 : i32
      %swap3A_380 = arith.index_cast %swap3A_379 : i32 to index
      %swap3A_381 = arith.constant 80 : index
      %swap3A_382 = tpu.vector_load %arg11[%swap3A_380, %swap3A_381] {strides = array<i32>} : memref<8x128xf32, #tpu.memory_space<vmem>>, vector<1x16xf32>,
      %swap3A_383 = vector.shape_cast %swap3A_382 : vector<1x16xf32> to vector<16xf32>
      %swap3A_384 = vector.shape_cast %broadcast_in_dim3A_300 : vector<16xf32> to vector<1x16xf32>
      tpu.vector_store %arg11[%swap3A_380, %swap3A_381], %swap3A_384 {strides = array<i32>} : memref<8x128xf32, #tpu.memory_space<vmem>>, vector<1x16xf32>,
      %swap3A_385 = arith.constant 1 : i32
      %swap3A_386 = arith.index_cast %swap3A_385 : i32 to index
      %swap3A_387 = arith.constant 96 : index
      %swap3A_388 = tpu.vector_load %arg11[%swap3A_386, %swap3A_387] {strides = array<i32>} : memref<8x128xf32, #tpu.memory_space<vmem>>, vector<1x16xf32>,
      %swap3A_389 = vector.shape_cast %swap3A_388 : vector<1x16xf32> to vector<16xf32>
      %swap3A_390 = vector.shape_cast %broadcast_in_dim3A_300 : vector<16xf32> to vector<1x16xf32>
      tpu.vector_store %arg11[%swap3A_386, %swap3A_387], %swap3A_390 {strides = array<i32>} : memref<8x128xf32, #tpu.memory_space<vmem>>, vector<1x16xf32>,
      %swap3A_391 = arith.constant 1 : i32
      %swap3A_392 = arith.index_cast %swap3A_391 : i32 to index
      %swap3A_393 = arith.constant 112 : index
      %swap3A_394 = tpu.vector_load %arg11[%swap3A_392, %swap3A_393] {strides = array<i32>} : memref<8x128xf32, #tpu.memory_space<vmem>>, vector<1x16xf32>,
      %swap3A_395 = vector.shape_cast %swap3A_394 : vector<1x16xf32> to vector<16xf32>
      %swap3A_396 = vector.shape_cast %broadcast_in_dim3A_300 : vector<16xf32> to vector<1x16xf32>
      tpu.vector_store %arg11[%swap3A_392, %swap3A_393], %swap3A_396 {strides = array<i32>} : memref<8x128xf32, #tpu.memory_space<vmem>>, vector<1x16xf32>,
      %swap3A_397 = arith.constant 2 : i32
      %swap3A_398 = arith.index_cast %swap3A_397 : i32 to index
      %swap3A_399 = arith.constant 0 : index
      %swap3A_400 = tpu.vector_load %arg11[%swap3A_398, %swap3A_399] {strides = array<i32>} : memref<8x128xf32, #tpu.memory_space<vmem>>, vector<1x16xf32>,
      %swap3A_401 = vector.shape_cast %swap3A_400 : vector<1x16xf32> to vector<16xf32>
      %swap3A_402 = vector.shape_cast %broadcast_in_dim3A_300 : vector<16xf32> to vector<1x16xf32>
      tpu.vector_store %arg11[%swap3A_398, %swap3A_399], %swap3A_402 {strides = array<i32>} : memref<8x128xf32, #tpu.memory_space<vmem>>, vector<1x16xf32>,
      %swap3A_403 = arith.constant 2 : i32
      %swap3A_404 = arith.index_cast %swap3A_403 : i32 to index
      %swap3A_405 = arith.constant 16 : index
      %swap3A_406 = tpu.vector_load %arg11[%swap3A_404, %swap3A_405] {strides = array<i32>} : memref<8x128xf32, #tpu.memory_space<vmem>>, vector<1x16xf32>,
      %swap3A_407 = vector.shape_cast %swap3A_406 : vector<1x16xf32> to vector<16xf32>
      %swap3A_408 = vector.shape_cast %broadcast_in_dim3A_300 : vector<16xf32> to vector<1x16xf32>
      tpu.vector_store %arg11[%swap3A_404, %swap3A_405], %swap3A_408 {strides = array<i32>} : memref<8x128xf32, #tpu.memory_space<vmem>>, vector<1x16xf32>,
      %swap3A_409 = arith.constant 2 : i32
      %swap3A_410 = arith.index_cast %swap3A_409 : i32 to index
      %swap3A_411 = arith.constant 32 : index
      %swap3A_412 = tpu.vector_load %arg11[%swap3A_410, %swap3A_411] {strides = array<i32>} : memref<8x128xf32, #tpu.memory_space<vmem>>, vector<1x16xf32>,
      %swap3A_413 = vector.shape_cast %swap3A_412 : vector<1x16xf32> to vector<16xf32>
      %swap3A_414 = vector.shape_cast %broadcast_in_dim3A_300 : vector<16xf32> to vector<1x16xf32>
      tpu.vector_store %arg11[%swap3A_410, %swap3A_411], %swap3A_414 {strides = array<i32>} : memref<8x128xf32, #tpu.memory_space<vmem>>, vector<1x16xf32>,
      %swap3A_415 = arith.constant 2 : i32
      %swap3A_416 = arith.index_cast %swap3A_415 : i32 to index
      %swap3A_417 = arith.constant 48 : index
      %swap3A_418 = tpu.vector_load %arg11[%swap3A_416, %swap3A_417] {strides = array<i32>} : memref<8x128xf32, #tpu.memory_space<vmem>>, vector<1x16xf32>,
      %swap3A_419 = vector.shape_cast %swap3A_418 : vector<1x16xf32> to vector<16xf32>
      %swap3A_420 = vector.shape_cast %broadcast_in_dim3A_300 : vector<16xf32> to vector<1x16xf32>
      tpu.vector_store %arg11[%swap3A_416, %swap3A_417], %swap3A_420 {strides = array<i32>} : memref<8x128xf32, #tpu.memory_space<vmem>>, vector<1x16xf32>,
      %swap3A_421 = arith.constant 2 : i32
      %swap3A_422 = arith.index_cast %swap3A_421 : i32 to index
      %swap3A_423 = arith.constant 64 : index
      %swap3A_424 = tpu.vector_load %arg11[%swap3A_422, %swap3A_423] {strides = array<i32>} : memref<8x128xf32, #tpu.memory_space<vmem>>, vector<1x16xf32>,
      %swap3A_425 = vector.shape_cast %swap3A_424 : vector<1x16xf32> to vector<16xf32>
      %swap3A_426 = vector.shape_cast %broadcast_in_dim3A_300 : vector<16xf32> to vector<1x16xf32>
      tpu.vector_store %arg11[%swap3A_422, %swap3A_423], %swap3A_426 {strides = array<i32>} : memref<8x128xf32, #tpu.memory_space<vmem>>, vector<1x16xf32>,
      %swap3A_427 = arith.constant 2 : i32
      %swap3A_428 = arith.index_cast %swap3A_427 : i32 to index
      %swap3A_429 = arith.constant 80 : index
      %swap3A_430 = tpu.vector_load %arg11[%swap3A_428, %swap3A_429] {strides = array<i32>} : memref<8x128xf32, #tpu.memory_space<vmem>>, vector<1x16xf32>,
      %swap3A_431 = vector.shape_cast %swap3A_430 : vector<1x16xf32> to vector<16xf32>
      %swap3A_432 = vector.shape_cast %broadcast_in_dim3A_300 : vector<16xf32> to vector<1x16xf32>
      tpu.vector_store %arg11[%swap3A_428, %swap3A_429], %swap3A_432 {strides = array<i32>} : memref<8x128xf32, #tpu.memory_space<vmem>>, vector<1x16xf32>,
      %swap3A_433 = arith.constant 2 : i32
      %swap3A_434 = arith.index_cast %swap3A_433 : i32 to index
      %swap3A_435 = arith.constant 96 : index
      %swap3A_436 = tpu.vector_load %arg11[%swap3A_434, %swap3A_435] {strides = array<i32>} : memref<8x128xf32, #tpu.memory_space<vmem>>, vector<1x16xf32>,
      %swap3A_437 = vector.shape_cast %swap3A_436 : vector<1x16xf32> to vector<16xf32>
      %swap3A_438 = vector.shape_cast %broadcast_in_dim3A_300 : vector<16xf32> to vector<1x16xf32>
      tpu.vector_store %arg11[%swap3A_434, %swap3A_435], %swap3A_438 {strides = array<i32>} : memref<8x128xf32, #tpu.memory_space<vmem>>, vector<1x16xf32>,
      %swap3A_439 = arith.constant 2 : i32
      %swap3A_440 = arith.index_cast %swap3A_439 : i32 to index
      %swap3A_441 = arith.constant 112 : index
      %swap3A_442 = tpu.vector_load %arg11[%swap3A_440, %swap3A_441] {strides = array<i32>} : memref<8x128xf32, #tpu.memory_space<vmem>>, vector<1x16xf32>,
      %swap3A_443 = vector.shape_cast %swap3A_442 : vector<1x16xf32> to vector<16xf32>
      %swap3A_444 = vector.shape_cast %broadcast_in_dim3A_300 : vector<16xf32> to vector<1x16xf32>
      tpu.vector_store %arg11[%swap3A_440, %swap3A_441], %swap3A_444 {strides = array<i32>} : memref<8x128xf32, #tpu.memory_space<vmem>>, vector<1x16xf32>,
      %swap3A_445 = arith.constant 3 : i32
      %swap3A_446 = arith.index_cast %swap3A_445 : i32 to index
      %swap3A_447 = arith.constant 0 : index
      %swap3A_448 = tpu.vector_load %arg11[%swap3A_446, %swap3A_447] {strides = array<i32>} : memref<8x128xf32, #tpu.memory_space<vmem>>, vector<1x16xf32>,
      %swap3A_449 = vector.shape_cast %swap3A_448 : vector<1x16xf32> to vector<16xf32>
      %swap3A_450 = vector.shape_cast %broadcast_in_dim3A_300 : vector<16xf32> to vector<1x16xf32>
      tpu.vector_store %arg11[%swap3A_446, %swap3A_447], %swap3A_450 {strides = array<i32>} : memref<8x128xf32, #tpu.memory_space<vmem>>, vector<1x16xf32>,
      %swap3A_451 = arith.constant 3 : i32
      %swap3A_452 = arith.index_cast %swap3A_451 : i32 to index
      %swap3A_453 = arith.constant 16 : index
      %swap3A_454 = tpu.vector_load %arg11[%swap3A_452, %swap3A_453] {strides = array<i32>} : memref<8x128xf32, #tpu.memory_space<vmem>>, vector<1x16xf32>,
      %swap3A_455 = vector.shape_cast %swap3A_454 : vector<1x16xf32> to vector<16xf32>
      %swap3A_456 = vector.shape_cast %broadcast_in_dim3A_300 : vector<16xf32> to vector<1x16xf32>
      tpu.vector_store %arg11[%swap3A_452, %swap3A_453], %swap3A_456 {strides = array<i32>} : memref<8x128xf32, #tpu.memory_space<vmem>>, vector<1x16xf32>,
      %swap3A_457 = arith.constant 3 : i32
      %swap3A_458 = arith.index_cast %swap3A_457 : i32 to index
      %swap3A_459 = arith.constant 32 : index
      %swap3A_460 = tpu.vector_load %arg11[%swap3A_458, %swap3A_459] {strides = array<i32>} : memref<8x128xf32, #tpu.memory_space<vmem>>, vector<1x16xf32>,
      %swap3A_461 = vector.shape_cast %swap3A_460 : vector<1x16xf32> to vector<16xf32>
      %swap3A_462 = vector.shape_cast %broadcast_in_dim3A_300 : vector<16xf32> to vector<1x16xf32>
      tpu.vector_store %arg11[%swap3A_458, %swap3A_459], %swap3A_462 {strides = array<i32>} : memref<8x128xf32, #tpu.memory_space<vmem>>, vector<1x16xf32>,
      %swap3A_463 = arith.constant 3 : i32
      %swap3A_464 = arith.index_cast %swap3A_463 : i32 to index
      %swap3A_465 = arith.constant 48 : index
      %swap3A_466 = tpu.vector_load %arg11[%swap3A_464, %swap3A_465] {strides = array<i32>} : memref<8x128xf32, #tpu.memory_space<vmem>>, vector<1x16xf32>,
      %swap3A_467 = vector.shape_cast %swap3A_466 : vector<1x16xf32> to vector<16xf32>
      %swap3A_468 = vector.shape_cast %broadcast_in_dim3A_300 : vector<16xf32> to vector<1x16xf32>
      tpu.vector_store %arg11[%swap3A_464, %swap3A_465], %swap3A_468 {strides = array<i32>} : memref<8x128xf32, #tpu.memory_space<vmem>>, vector<1x16xf32>,
      %swap3A_469 = arith.constant 3 : i32
      %swap3A_470 = arith.index_cast %swap3A_469 : i32 to index
      %swap3A_471 = arith.constant 64 : index
      %swap3A_472 = tpu.vector_load %arg11[%swap3A_470, %swap3A_471] {strides = array<i32>} : memref<8x128xf32, #tpu.memory_space<vmem>>, vector<1x16xf32>,
      %swap3A_473 = vector.shape_cast %swap3A_472 : vector<1x16xf32> to vector<16xf32>
      %swap3A_474 = vector.shape_cast %broadcast_in_dim3A_300 : vector<16xf32> to vector<1x16xf32>
      tpu.vector_store %arg11[%swap3A_470, %swap3A_471], %swap3A_474 {strides = array<i32>} : memref<8x128xf32, #tpu.memory_space<vmem>>, vector<1x16xf32>,
      %swap3A_475 = arith.constant 3 : i32
      %swap3A_476 = arith.index_cast %swap3A_475 : i32 to index
      %swap3A_477 = arith.constant 80 : index
      %swap3A_478 = tpu.vector_load %arg11[%swap3A_476, %swap3A_477] {strides = array<i32>} : memref<8x128xf32, #tpu.memory_space<vmem>>, vector<1x16xf32>,
      %swap3A_479 = vector.shape_cast %swap3A_478 : vector<1x16xf32> to vector<16xf32>
      %swap3A_480 = vector.shape_cast %broadcast_in_dim3A_300 : vector<16xf32> to vector<1x16xf32>
      tpu.vector_store %arg11[%swap3A_476, %swap3A_477], %swap3A_480 {strides = array<i32>} : memref<8x128xf32, #tpu.memory_space<vmem>>, vector<1x16xf32>,
      %swap3A_481 = arith.constant 3 : i32
      %swap3A_482 = arith.index_cast %swap3A_481 : i32 to index
      %swap3A_483 = arith.constant 96 : index
      %swap3A_484 = tpu.vector_load %arg11[%swap3A_482, %swap3A_483] {strides = array<i32>} : memref<8x128xf32, #tpu.memory_space<vmem>>, vector<1x16xf32>,
      %swap3A_485 = vector.shape_cast %swap3A_484 : vector<1x16xf32> to vector<16xf32>
      %swap3A_486 = vector.shape_cast %broadcast_in_dim3A_300 : vector<16xf32> to vector<1x16xf32>
      tpu.vector_store %arg11[%swap3A_482, %swap3A_483], %swap3A_486 {strides = array<i32>} : memref<8x128xf32, #tpu.memory_space<vmem>>, vector<1x16xf32>,
      %swap3A_487 = arith.constant 3 : i32
      %swap3A_488 = arith.index_cast %swap3A_487 : i32 to index
      %swap3A_489 = arith.constant 112 : index
      %swap3A_490 = tpu.vector_load %arg11[%swap3A_488, %swap3A_489] {strides = array<i32>} : memref<8x128xf32, #tpu.memory_space<vmem>>, vector<1x16xf32>,
      %swap3A_491 = vector.shape_cast %swap3A_490 : vector<1x16xf32> to vector<16xf32>
      %swap3A_492 = vector.shape_cast %broadcast_in_dim3A_300 : vector<16xf32> to vector<1x16xf32>
      tpu.vector_store %arg11[%swap3A_488, %swap3A_489], %swap3A_492 {strides = array<i32>} : memref<8x128xf32, #tpu.memory_space<vmem>>, vector<1x16xf32>,
      %swap3A_493 = arith.constant 4 : i32
      %swap3A_494 = arith.index_cast %swap3A_493 : i32 to index
      %swap3A_495 = arith.constant 0 : index
      %swap3A_496 = tpu.vector_load %arg11[%swap3A_494, %swap3A_495] {strides = array<i32>} : memref<8x128xf32, #tpu.memory_space<vmem>>, vector<1x16xf32>,
      %swap3A_497 = vector.shape_cast %swap3A_496 : vector<1x16xf32> to vector<16xf32>
      %swap3A_498 = vector.shape_cast %broadcast_in_dim3A_300 : vector<16xf32> to vector<1x16xf32>
      tpu.vector_store %arg11[%swap3A_494, %swap3A_495], %swap3A_498 {strides = array<i32>} : memref<8x128xf32, #tpu.memory_space<vmem>>, vector<1x16xf32>,
      %swap3A_499 = arith.constant 4 : i32
      %swap3A_500 = arith.index_cast %swap3A_499 : i32 to index
      %swap3A_501 = arith.constant 16 : index
      %swap3A_502 = tpu.vector_load %arg11[%swap3A_500, %swap3A_501] {strides = array<i32>} : memref<8x128xf32, #tpu.memory_space<vmem>>, vector<1x16xf32>,
      %swap3A_503 = vector.shape_cast %swap3A_502 : vector<1x16xf32> to vector<16xf32>
      %swap3A_504 = vector.shape_cast %broadcast_in_dim3A_300 : vector<16xf32> to vector<1x16xf32>
      tpu.vector_store %arg11[%swap3A_500, %swap3A_501], %swap3A_504 {strides = array<i32>} : memref<8x128xf32, #tpu.memory_space<vmem>>, vector<1x16xf32>,
      %swap3A_505 = arith.constant 4 : i32
      %swap3A_506 = arith.index_cast %swap3A_505 : i32 to index
      %swap3A_507 = arith.constant 32 : index
      %swap3A_508 = tpu.vector_load %arg11[%swap3A_506, %swap3A_507] {strides = array<i32>} : memref<8x128xf32, #tpu.memory_space<vmem>>, vector<1x16xf32>,
      %swap3A_509 = vector.shape_cast %swap3A_508 : vector<1x16xf32> to vector<16xf32>
      %swap3A_510 = vector.shape_cast %broadcast_in_dim3A_300 : vector<16xf32> to vector<1x16xf32>
      tpu.vector_store %arg11[%swap3A_506, %swap3A_507], %swap3A_510 {strides = array<i32>} : memref<8x128xf32, #tpu.memory_space<vmem>>, vector<1x16xf32>,
      %swap3A_511 = arith.constant 4 : i32
      %swap3A_512 = arith.index_cast %swap3A_511 : i32 to index
      %swap3A_513 = arith.constant 48 : index
      %swap3A_514 = tpu.vector_load %arg11[%swap3A_512, %swap3A_513] {strides = array<i32>} : memref<8x128xf32, #tpu.memory_space<vmem>>, vector<1x16xf32>,
      %swap3A_515 = vector.shape_cast %swap3A_514 : vector<1x16xf32> to vector<16xf32>
      %swap3A_516 = vector.shape_cast %broadcast_in_dim3A_300 : vector<16xf32> to vector<1x16xf32>
      tpu.vector_store %arg11[%swap3A_512, %swap3A_513], %swap3A_516 {strides = array<i32>} : memref<8x128xf32, #tpu.memory_space<vmem>>, vector<1x16xf32>,
      %swap3A_517 = arith.constant 4 : i32
      %swap3A_518 = arith.index_cast %swap3A_517 : i32 to index
      %swap3A_519 = arith.constant 64 : index
      %swap3A_520 = tpu.vector_load %arg11[%swap3A_518, %swap3A_519] {strides = array<i32>} : memref<8x128xf32, #tpu.memory_space<vmem>>, vector<1x16xf32>,
      %swap3A_521 = vector.shape_cast %swap3A_520 : vector<1x16xf32> to vector<16xf32>
      %swap3A_522 = vector.shape_cast %broadcast_in_dim3A_300 : vector<16xf32> to vector<1x16xf32>
      tpu.vector_store %arg11[%swap3A_518, %swap3A_519], %swap3A_522 {strides = array<i32>} : memref<8x128xf32, #tpu.memory_space<vmem>>, vector<1x16xf32>,
      %swap3A_523 = arith.constant 4 : i32
      %swap3A_524 = arith.index_cast %swap3A_523 : i32 to index
      %swap3A_525 = arith.constant 80 : index
      %swap3A_526 = tpu.vector_load %arg11[%swap3A_524, %swap3A_525] {strides = array<i32>} : memref<8x128xf32, #tpu.memory_space<vmem>>, vector<1x16xf32>,
      %swap3A_527 = vector.shape_cast %swap3A_526 : vector<1x16xf32> to vector<16xf32>
      %swap3A_528 = vector.shape_cast %broadcast_in_dim3A_300 : vector<16xf32> to vector<1x16xf32>
      tpu.vector_store %arg11[%swap3A_524, %swap3A_525], %swap3A_528 {strides = array<i32>} : memref<8x128xf32, #tpu.memory_space<vmem>>, vector<1x16xf32>,
      %swap3A_529 = arith.constant 4 : i32
      %swap3A_530 = arith.index_cast %swap3A_529 : i32 to index
      %swap3A_531 = arith.constant 96 : index
      %swap3A_532 = tpu.vector_load %arg11[%swap3A_530, %swap3A_531] {strides = array<i32>} : memref<8x128xf32, #tpu.memory_space<vmem>>, vector<1x16xf32>,
      %swap3A_533 = vector.shape_cast %swap3A_532 : vector<1x16xf32> to vector<16xf32>
      %swap3A_534 = vector.shape_cast %broadcast_in_dim3A_300 : vector<16xf32> to vector<1x16xf32>
      tpu.vector_store %arg11[%swap3A_530, %swap3A_531], %swap3A_534 {strides = array<i32>} : memref<8x128xf32, #tpu.memory_space<vmem>>, vector<1x16xf32>,
      %swap3A_535 = arith.constant 4 : i32
      %swap3A_536 = arith.index_cast %swap3A_535 : i32 to index
      %swap3A_537 = arith.constant 112 : index
      %swap3A_538 = tpu.vector_load %arg11[%swap3A_536, %swap3A_537] {strides = array<i32>} : memref<8x128xf32, #tpu.memory_space<vmem>>, vector<1x16xf32>,
      %swap3A_539 = vector.shape_cast %swap3A_538 : vector<1x16xf32> to vector<16xf32>
      %swap3A_540 = vector.shape_cast %broadcast_in_dim3A_300 : vector<16xf32> to vector<1x16xf32>
      tpu.vector_store %arg11[%swap3A_536, %swap3A_537], %swap3A_540 {strides = array<i32>} : memref<8x128xf32, #tpu.memory_space<vmem>>, vector<1x16xf32>,
      %swap3A_541 = arith.constant 5 : i32
      %swap3A_542 = arith.index_cast %swap3A_541 : i32 to index
      %swap3A_543 = arith.constant 0 : index
      %swap3A_544 = tpu.vector_load %arg11[%swap3A_542, %swap3A_543] {strides = array<i32>} : memref<8x128xf32, #tpu.memory_space<vmem>>, vector<1x16xf32>,
      %swap3A_545 = vector.shape_cast %swap3A_544 : vector<1x16xf32> to vector<16xf32>
      %swap3A_546 = vector.shape_cast %broadcast_in_dim3A_300 : vector<16xf32> to vector<1x16xf32>
      tpu.vector_store %arg11[%swap3A_542, %swap3A_543], %swap3A_546 {strides = array<i32>} : memref<8x128xf32, #tpu.memory_space<vmem>>, vector<1x16xf32>,
      %swap3A_547 = arith.constant 5 : i32
      %swap3A_548 = arith.index_cast %swap3A_547 : i32 to index
      %swap3A_549 = arith.constant 16 : index
      %swap3A_550 = tpu.vector_load %arg11[%swap3A_548, %swap3A_549] {strides = array<i32>} : memref<8x128xf32, #tpu.memory_space<vmem>>, vector<1x16xf32>,
      %swap3A_551 = vector.shape_cast %swap3A_550 : vector<1x16xf32> to vector<16xf32>
      %swap3A_552 = vector.shape_cast %broadcast_in_dim3A_300 : vector<16xf32> to vector<1x16xf32>
      tpu.vector_store %arg11[%swap3A_548, %swap3A_549], %swap3A_552 {strides = array<i32>} : memref<8x128xf32, #tpu.memory_space<vmem>>, vector<1x16xf32>,
      %swap3A_553 = arith.constant 5 : i32
      %swap3A_554 = arith.index_cast %swap3A_553 : i32 to index
      %swap3A_555 = arith.constant 32 : index
      %swap3A_556 = tpu.vector_load %arg11[%swap3A_554, %swap3A_555] {strides = array<i32>} : memref<8x128xf32, #tpu.memory_space<vmem>>, vector<1x16xf32>,
      %swap3A_557 = vector.shape_cast %swap3A_556 : vector<1x16xf32> to vector<16xf32>
      %swap3A_558 = vector.shape_cast %broadcast_in_dim3A_300 : vector<16xf32> to vector<1x16xf32>
      tpu.vector_store %arg11[%swap3A_554, %swap3A_555], %swap3A_558 {strides = array<i32>} : memref<8x128xf32, #tpu.memory_space<vmem>>, vector<1x16xf32>,
      %swap3A_559 = arith.constant 5 : i32
      %swap3A_560 = arith.index_cast %swap3A_559 : i32 to index
      %swap3A_561 = arith.constant 48 : index
      %swap3A_562 = tpu.vector_load %arg11[%swap3A_560, %swap3A_561] {strides = array<i32>} : memref<8x128xf32, #tpu.memory_space<vmem>>, vector<1x16xf32>,
      %swap3A_563 = vector.shape_cast %swap3A_562 : vector<1x16xf32> to vector<16xf32>
      %swap3A_564 = vector.shape_cast %broadcast_in_dim3A_300 : vector<16xf32> to vector<1x16xf32>
      tpu.vector_store %arg11[%swap3A_560, %swap3A_561], %swap3A_564 {strides = array<i32>} : memref<8x128xf32, #tpu.memory_space<vmem>>, vector<1x16xf32>,
      %swap3A_565 = arith.constant 5 : i32
      %swap3A_566 = arith.index_cast %swap3A_565 : i32 to index
      %swap3A_567 = arith.constant 64 : index
      %swap3A_568 = tpu.vector_load %arg11[%swap3A_566, %swap3A_567] {strides = array<i32>} : memref<8x128xf32, #tpu.memory_space<vmem>>, vector<1x16xf32>,
      %swap3A_569 = vector.shape_cast %swap3A_568 : vector<1x16xf32> to vector<16xf32>
      %swap3A_570 = vector.shape_cast %broadcast_in_dim3A_300 : vector<16xf32> to vector<1x16xf32>
      tpu.vector_store %arg11[%swap3A_566, %swap3A_567], %swap3A_570 {strides = array<i32>} : memref<8x128xf32, #tpu.memory_space<vmem>>, vector<1x16xf32>,
      %swap3A_571 = arith.constant 5 : i32
      %swap3A_572 = arith.index_cast %swap3A_571 : i32 to index
      %swap3A_573 = arith.constant 80 : index
      %swap3A_574 = tpu.vector_load %arg11[%swap3A_572, %swap3A_573] {strides = array<i32>} : memref<8x128xf32, #tpu.memory_space<vmem>>, vector<1x16xf32>,
      %swap3A_575 = vector.shape_cast %swap3A_574 : vector<1x16xf32> to vector<16xf32>
      %swap3A_576 = vector.shape_cast %broadcast_in_dim3A_300 : vector<16xf32> to vector<1x16xf32>
      tpu.vector_store %arg11[%swap3A_572, %swap3A_573], %swap3A_576 {strides = array<i32>} : memref<8x128xf32, #tpu.memory_space<vmem>>, vector<1x16xf32>,
      %swap3A_577 = arith.constant 5 : i32
      %swap3A_578 = arith.index_cast %swap3A_577 : i32 to index
      %swap3A_579 = arith.constant 96 : index
      %swap3A_580 = tpu.vector_load %arg11[%swap3A_578, %swap3A_579] {strides = array<i32>} : memref<8x128xf32, #tpu.memory_space<vmem>>, vector<1x16xf32>,
      %swap3A_581 = vector.shape_cast %swap3A_580 : vector<1x16xf32> to vector<16xf32>
      %swap3A_582 = vector.shape_cast %broadcast_in_dim3A_300 : vector<16xf32> to vector<1x16xf32>
      tpu.vector_store %arg11[%swap3A_578, %swap3A_579], %swap3A_582 {strides = array<i32>} : memref<8x128xf32, #tpu.memory_space<vmem>>, vector<1x16xf32>,
      %swap3A_583 = arith.constant 5 : i32
      %swap3A_584 = arith.index_cast %swap3A_583 : i32 to index
      %swap3A_585 = arith.constant 112 : index
      %swap3A_586 = tpu.vector_load %arg11[%swap3A_584, %swap3A_585] {strides = array<i32>} : memref<8x128xf32, #tpu.memory_space<vmem>>, vector<1x16xf32>,
      %swap3A_587 = vector.shape_cast %swap3A_586 : vector<1x16xf32> to vector<16xf32>
      %swap3A_588 = vector.shape_cast %broadcast_in_dim3A_300 : vector<16xf32> to vector<1x16xf32>
      tpu.vector_store %arg11[%swap3A_584, %swap3A_585], %swap3A_588 {strides = array<i32>} : memref<8x128xf32, #tpu.memory_space<vmem>>, vector<1x16xf32>,
      %swap3A_589 = arith.constant 6 : i32
      %swap3A_590 = arith.index_cast %swap3A_589 : i32 to index
      %swap3A_591 = arith.constant 0 : index
      %swap3A_592 = tpu.vector_load %arg11[%swap3A_590, %swap3A_591] {strides = array<i32>} : memref<8x128xf32, #tpu.memory_space<vmem>>, vector<1x16xf32>,
      %swap3A_593 = vector.shape_cast %swap3A_592 : vector<1x16xf32> to vector<16xf32>
      %swap3A_594 = vector.shape_cast %broadcast_in_dim3A_300 : vector<16xf32> to vector<1x16xf32>
      tpu.vector_store %arg11[%swap3A_590, %swap3A_591], %swap3A_594 {strides = array<i32>} : memref<8x128xf32, #tpu.memory_space<vmem>>, vector<1x16xf32>,
      %swap3A_595 = arith.constant 6 : i32
      %swap3A_596 = arith.index_cast %swap3A_595 : i32 to index
      %swap3A_597 = arith.constant 16 : index
      %swap3A_598 = tpu.vector_load %arg11[%swap3A_596, %swap3A_597] {strides = array<i32>} : memref<8x128xf32, #tpu.memory_space<vmem>>, vector<1x16xf32>,
      %swap3A_599 = vector.shape_cast %swap3A_598 : vector<1x16xf32> to vector<16xf32>
      %swap3A_600 = vector.shape_cast %broadcast_in_dim3A_300 : vector<16xf32> to vector<1x16xf32>
      tpu.vector_store %arg11[%swap3A_596, %swap3A_597], %swap3A_600 {strides = array<i32>} : memref<8x128xf32, #tpu.memory_space<vmem>>, vector<1x16xf32>,
      %swap3A_601 = arith.constant 6 : i32
      %swap3A_602 = arith.index_cast %swap3A_601 : i32 to index
      %swap3A_603 = arith.constant 32 : index
      %swap3A_604 = tpu.vector_load %arg11[%swap3A_602, %swap3A_603] {strides = array<i32>} : memref<8x128xf32, #tpu.memory_space<vmem>>, vector<1x16xf32>,
      %swap3A_605 = vector.shape_cast %swap3A_604 : vector<1x16xf32> to vector<16xf32>
      %swap3A_606 = vector.shape_cast %broadcast_in_dim3A_300 : vector<16xf32> to vector<1x16xf32>
      tpu.vector_store %arg11[%swap3A_602, %swap3A_603], %swap3A_606 {strides = array<i32>} : memref<8x128xf32, #tpu.memory_space<vmem>>, vector<1x16xf32>,
      %swap3A_607 = arith.constant 6 : i32
      %swap3A_608 = arith.index_cast %swap3A_607 : i32 to index
      %swap3A_609 = arith.constant 48 : index
      %swap3A_610 = tpu.vector_load %arg11[%swap3A_608, %swap3A_609] {strides = array<i32>} : memref<8x128xf32, #tpu.memory_space<vmem>>, vector<1x16xf32>,
      %swap3A_611 = vector.shape_cast %swap3A_610 : vector<1x16xf32> to vector<16xf32>
      %swap3A_612 = vector.shape_cast %broadcast_in_dim3A_300 : vector<16xf32> to vector<1x16xf32>
      tpu.vector_store %arg11[%swap3A_608, %swap3A_609], %swap3A_612 {strides = array<i32>} : memref<8x128xf32, #tpu.memory_space<vmem>>, vector<1x16xf32>,
      %swap3A_613 = arith.constant 6 : i32
      %swap3A_614 = arith.index_cast %swap3A_613 : i32 to index
      %swap3A_615 = arith.constant 64 : index
      %swap3A_616 = tpu.vector_load %arg11[%swap3A_614, %swap3A_615] {strides = array<i32>} : memref<8x128xf32, #tpu.memory_space<vmem>>, vector<1x16xf32>,
      %swap3A_617 = vector.shape_cast %swap3A_616 : vector<1x16xf32> to vector<16xf32>
      %swap3A_618 = vector.shape_cast %broadcast_in_dim3A_300 : vector<16xf32> to vector<1x16xf32>
      tpu.vector_store %arg11[%swap3A_614, %swap3A_615], %swap3A_618 {strides = array<i32>} : memref<8x128xf32, #tpu.memory_space<vmem>>, vector<1x16xf32>,
      %swap3A_619 = arith.constant 6 : i32
      %swap3A_620 = arith.index_cast %swap3A_619 : i32 to index
      %swap3A_621 = arith.constant 80 : index
      %swap3A_622 = tpu.vector_load %arg11[%swap3A_620, %swap3A_621] {strides = array<i32>} : memref<8x128xf32, #tpu.memory_space<vmem>>, vector<1x16xf32>,
      %swap3A_623 = vector.shape_cast %swap3A_622 : vector<1x16xf32> to vector<16xf32>
      %swap3A_624 = vector.shape_cast %broadcast_in_dim3A_300 : vector<16xf32> to vector<1x16xf32>
      tpu.vector_store %arg11[%swap3A_620, %swap3A_621], %swap3A_624 {strides = array<i32>} : memref<8x128xf32, #tpu.memory_space<vmem>>, vector<1x16xf32>,
      %swap3A_625 = arith.constant 6 : i32
      %swap3A_626 = arith.index_cast %swap3A_625 : i32 to index
      %swap3A_627 = arith.constant 96 : index
      %swap3A_628 = tpu.vector_load %arg11[%swap3A_626, %swap3A_627] {strides = array<i32>} : memref<8x128xf32, #tpu.memory_space<vmem>>, vector<1x16xf32>,
      %swap3A_629 = vector.shape_cast %swap3A_628 : vector<1x16xf32> to vector<16xf32>
      %swap3A_630 = vector.shape_cast %broadcast_in_dim3A_300 : vector<16xf32> to vector<1x16xf32>
      tpu.vector_store %arg11[%swap3A_626, %swap3A_627], %swap3A_630 {strides = array<i32>} : memref<8x128xf32, #tpu.memory_space<vmem>>, vector<1x16xf32>,
      %swap3A_631 = arith.constant 6 : i32
      %swap3A_632 = arith.index_cast %swap3A_631 : i32 to index
      %swap3A_633 = arith.constant 112 : index
      %swap3A_634 = tpu.vector_load %arg11[%swap3A_632, %swap3A_633] {strides = array<i32>} : memref<8x128xf32, #tpu.memory_space<vmem>>, vector<1x16xf32>,
      %swap3A_635 = vector.shape_cast %swap3A_634 : vector<1x16xf32> to vector<16xf32>
      %swap3A_636 = vector.shape_cast %broadcast_in_dim3A_300 : vector<16xf32> to vector<1x16xf32>
      tpu.vector_store %arg11[%swap3A_632, %swap3A_633], %swap3A_636 {strides = array<i32>} : memref<8x128xf32, #tpu.memory_space<vmem>>, vector<1x16xf32>,
      %swap3A_637 = arith.constant 7 : i32
      %swap3A_638 = arith.index_cast %swap3A_637 : i32 to index
      %swap3A_639 = arith.constant 0 : index
      %swap3A_640 = tpu.vector_load %arg11[%swap3A_638, %swap3A_639] {strides = array<i32>} : memref<8x128xf32, #tpu.memory_space<vmem>>, vector<1x16xf32>,
      %swap3A_641 = vector.shape_cast %swap3A_640 : vector<1x16xf32> to vector<16xf32>
      %swap3A_642 = vector.shape_cast %broadcast_in_dim3A_300 : vector<16xf32> to vector<1x16xf32>
      tpu.vector_store %arg11[%swap3A_638, %swap3A_639], %swap3A_642 {strides = array<i32>} : memref<8x128xf32, #tpu.memory_space<vmem>>, vector<1x16xf32>,
      %swap3A_643 = arith.constant 7 : i32
      %swap3A_644 = arith.index_cast %swap3A_643 : i32 to index
      %swap3A_645 = arith.constant 16 : index
      %swap3A_646 = tpu.vector_load %arg11[%swap3A_644, %swap3A_645] {strides = array<i32>} : memref<8x128xf32, #tpu.memory_space<vmem>>, vector<1x16xf32>,
      %swap3A_647 = vector.shape_cast %swap3A_646 : vector<1x16xf32> to vector<16xf32>
      %swap3A_648 = vector.shape_cast %broadcast_in_dim3A_300 : vector<16xf32> to vector<1x16xf32>
      tpu.vector_store %arg11[%swap3A_644, %swap3A_645], %swap3A_648 {strides = array<i32>} : memref<8x128xf32, #tpu.memory_space<vmem>>, vector<1x16xf32>,
      %swap3A_649 = arith.constant 7 : i32
      %swap3A_650 = arith.index_cast %swap3A_649 : i32 to index
      %swap3A_651 = arith.constant 32 : index
      %swap3A_652 = tpu.vector_load %arg11[%swap3A_650, %swap3A_651] {strides = array<i32>} : memref<8x128xf32, #tpu.memory_space<vmem>>, vector<1x16xf32>,
      %swap3A_653 = vector.shape_cast %swap3A_652 : vector<1x16xf32> to vector<16xf32>
      %swap3A_654 = vector.shape_cast %broadcast_in_dim3A_300 : vector<16xf32> to vector<1x16xf32>
      tpu.vector_store %arg11[%swap3A_650, %swap3A_651], %swap3A_654 {strides = array<i32>} : memref<8x128xf32, #tpu.memory_space<vmem>>, vector<1x16xf32>,
      %swap3A_655 = arith.constant 7 : i32
      %swap3A_656 = arith.index_cast %swap3A_655 : i32 to index
      %swap3A_657 = arith.constant 48 : index
      %swap3A_658 = tpu.vector_load %arg11[%swap3A_656, %swap3A_657] {strides = array<i32>} : memref<8x128xf32, #tpu.memory_space<vmem>>, vector<1x16xf32>,
      %swap3A_659 = vector.shape_cast %swap3A_658 : vector<1x16xf32> to vector<16xf32>
      %swap3A_660 = vector.shape_cast %broadcast_in_dim3A_300 : vector<16xf32> to vector<1x16xf32>
      tpu.vector_store %arg11[%swap3A_656, %swap3A_657], %swap3A_660 {strides = array<i32>} : memref<8x128xf32, #tpu.memory_space<vmem>>, vector<1x16xf32>,
      %swap3A_661 = arith.constant 7 : i32
      %swap3A_662 = arith.index_cast %swap3A_661 : i32 to index
      %swap3A_663 = arith.constant 64 : index
      %swap3A_664 = tpu.vector_load %arg11[%swap3A_662, %swap3A_663] {strides = array<i32>} : memref<8x128xf32, #tpu.memory_space<vmem>>, vector<1x16xf32>,
      %swap3A_665 = vector.shape_cast %swap3A_664 : vector<1x16xf32> to vector<16xf32>
      %swap3A_666 = vector.shape_cast %broadcast_in_dim3A_300 : vector<16xf32> to vector<1x16xf32>
      tpu.vector_store %arg11[%swap3A_662, %swap3A_663], %swap3A_666 {strides = array<i32>} : memref<8x128xf32, #tpu.memory_space<vmem>>, vector<1x16xf32>,
      %swap3A_667 = arith.constant 7 : i32
      %swap3A_668 = arith.index_cast %swap3A_667 : i32 to index
      %swap3A_669 = arith.constant 80 : index
      %swap3A_670 = tpu.vector_load %arg11[%swap3A_668, %swap3A_669] {strides = array<i32>} : memref<8x128xf32, #tpu.memory_space<vmem>>, vector<1x16xf32>,
      %swap3A_671 = vector.shape_cast %swap3A_670 : vector<1x16xf32> to vector<16xf32>
      %swap3A_672 = vector.shape_cast %broadcast_in_dim3A_300 : vector<16xf32> to vector<1x16xf32>
      tpu.vector_store %arg11[%swap3A_668, %swap3A_669], %swap3A_672 {strides = array<i32>} : memref<8x128xf32, #tpu.memory_space<vmem>>, vector<1x16xf32>,
      %swap3A_673 = arith.constant 7 : i32
      %swap3A_674 = arith.index_cast %swap3A_673 : i32 to index
      %swap3A_675 = arith.constant 96 : index
      %swap3A_676 = tpu.vector_load %arg11[%swap3A_674, %swap3A_675] {strides = array<i32>} : memref<8x128xf32, #tpu.memory_space<vmem>>, vector<1x16xf32>,
      %swap3A_677 = vector.shape_cast %swap3A_676 : vector<1x16xf32> to vector<16xf32>
      %swap3A_678 = vector.shape_cast %broadcast_in_dim3A_300 : vector<16xf32> to vector<1x16xf32>
      tpu.vector_store %arg11[%swap3A_674, %swap3A_675], %swap3A_678 {strides = array<i32>} : memref<8x128xf32, #tpu.memory_space<vmem>>, vector<1x16xf32>,
      %swap3A_679 = arith.constant 7 : i32
      %swap3A_680 = arith.index_cast %swap3A_679 : i32 to index
      %swap3A_681 = arith.constant 112 : index
      %swap3A_682 = tpu.vector_load %arg11[%swap3A_680, %swap3A_681] {strides = array<i32>} : memref<8x128xf32, #tpu.memory_space<vmem>>, vector<1x16xf32>,
      %swap3A_683 = vector.shape_cast %swap3A_682 : vector<1x16xf32> to vector<16xf32>
      %swap3A_684 = vector.shape_cast %broadcast_in_dim3A_300 : vector<16xf32> to vector<1x16xf32>
      tpu.vector_store %arg11[%swap3A_680, %swap3A_681], %swap3A_684 {strides = array<i32>} : memref<8x128xf32, #tpu.memory_space<vmem>>, vector<1x16xf32>,
      %jit3A = arith.constant 50 : i32
      %jit3A_685 = arith.constant 80 : i32
      %select_n3A = arith.select %eq3A_3, %jit3A, %jit3A_685 : i32
      %while3A = arith.constant 0 : i32
      %while3A_686 = arith.constant 0 : i32
      %while3A_687 = arith.subi %select_n3A, %while3A : i32
      %while3A_688 = arith.addi %while3A, %while3A_687 : i32
      %while3A_689 = arith.constant 1 : i32
      %while3A_690 = arith.divsi %while3A_687, %while3A_689 : i32
      %while3A_691 = arith.muli %while3A_690, %while3A_689 : i32
      %while3A_692 = arith.addi %while3A, %while3A_691 : i32
      %while3A_693 = arith.constant 1 : i32
      %while3A_694 = scf.for %while3A_709 = %while3A to %while3A_692 step %while3A_693 iter_args(%while3A_710 = %while3A_686) -> (i32)  : i32 {
        %mul3A_711 = arith.constant 8 : i32
        %mul3A_712 = arith.muli %while3A_709, %mul3A_711 : i32
        %add3A_713 = arith.addi %mul3A_2, %mul3A_712 : i32
        %dma_start3A_714 = arith.constant 0 : i32
        %dma_start3A_715 = tpu.memref_slice %arg12[%add3A_713, %dma_start3A_714] : memref<10240x128xf32, #tpu.memory_space<vmem_shared>> -> memref<8x128xf32, #tpu.memory_space<vmem_shared>>
        %dma_start3A_716 = arith.constant 0 : i32
        %dma_start3A_717 = tpu.memref_slice %arg12[%add3A_713, %dma_start3A_716] : memref<10240x128xf32, #tpu.memory_space<vmem_shared>> -> memref<8x128xf32, #tpu.memory_space<vmem_shared>>
        tpu.enqueue_dma source(%arg11 : memref<8x128xf32, #tpu.memory_space<vmem>>) target(%dma_start3A_717 : memref<8x128xf32, #tpu.memory_space<vmem_shared>>) target_semaphore(%arg20 : memref<!tpu.dma_semaphore, #tpu.memory_space<semaphore_mem>>)
        %while3A_718 = arith.constant 0 : i32
        scf.yield %while3A_718 : i32
      }
      %while3A_695 = arith.constant 1 : i32
      %while3A_696 = scf.for %while3A_709 = %while3A_692 to %while3A_688 step %while3A_695 iter_args(%while3A_710 = %while3A_694) -> (i32)  : i32 {
        %mul3A_711 = arith.constant 8 : i32
        %mul3A_712 = arith.muli %while3A_709, %mul3A_711 : i32
        %add3A_713 = arith.addi %mul3A_2, %mul3A_712 : i32
        %dma_start3A_714 = arith.constant 0 : i32
        %dma_start3A_715 = tpu.memref_slice %arg12[%add3A_713, %dma_start3A_714] : memref<10240x128xf32, #tpu.memory_space<vmem_shared>> -> memref<8x128xf32, #tpu.memory_space<vmem_shared>>
        %dma_start3A_716 = arith.constant 0 : i32
        %dma_start3A_717 = tpu.memref_slice %arg12[%add3A_713, %dma_start3A_716] : memref<10240x128xf32, #tpu.memory_space<vmem_shared>> -> memref<8x128xf32, #tpu.memory_space<vmem_shared>>
        tpu.enqueue_dma source(%arg11 : memref<8x128xf32, #tpu.memory_space<vmem>>) target(%dma_start3A_717 : memref<8x128xf32, #tpu.memory_space<vmem_shared>>) target_semaphore(%arg20 : memref<!tpu.dma_semaphore, #tpu.memory_space<semaphore_mem>>)
        %while3A_718 = arith.constant 0 : i32
        scf.yield %while3A_718 : i32
      }
      %while3A_697 = arith.constant 0 : i32
      %while3A_698 = arith.constant 0 : i32
      %while3A_699 = arith.subi %select_n3A, %while3A_697 : i32
      %while3A_700 = arith.addi %while3A_697, %while3A_699 : i32
      %while3A_701 = arith.constant 1 : i32
      %while3A_702 = arith.divsi %while3A_699, %while3A_701 : i32
      %while3A_703 = arith.muli %while3A_702, %while3A_701 : i32
      %while3A_704 = arith.addi %while3A_697, %while3A_703 : i32
      %while3A_705 = arith.constant 1 : i32
      %while3A_706 = scf.for %while3A_709 = %while3A_697 to %while3A_704 step %while3A_705 iter_args(%while3A_710 = %while3A_698) -> (i32)  : i32 {
        %dma_wait3A_711 = arith.constant 0 : i32
        %dma_wait3A_712 = tpu.memref_slice %arg12[%mul3A_2, %dma_wait3A_711] : memref<10240x128xf32, #tpu.memory_space<vmem_shared>> -> memref<8x128xf32, #tpu.memory_space<vmem_shared>>
        %dma_wait3A_713 = arith.constant 0 : i32
        %dma_wait3A_714 = tpu.memref_slice %arg12[%mul3A_2, %dma_wait3A_713] : memref<10240x128xf32, #tpu.memory_space<vmem_shared>> -> memref<8x128xf32, #tpu.memory_space<vmem_shared>>
        tpu.wait_dma2 semaphore(%arg20 : memref<!tpu.dma_semaphore, #tpu.memory_space<semaphore_mem>>) src(%arg11 : memref<8x128xf32, #tpu.memory_space<vmem>>) dst(%dma_wait3A_714 : memref<8x128xf32, #tpu.memory_space<vmem_shared>>)
        %while3A_715 = arith.constant 0 : i32
        scf.yield %while3A_715 : i32
      }
      %while3A_707 = arith.constant 1 : i32
      %while3A_708 = scf.for %while3A_709 = %while3A_704 to %while3A_700 step %while3A_707 iter_args(%while3A_710 = %while3A_706) -> (i32)  : i32 {
        %dma_wait3A_711 = arith.constant 0 : i32
        %dma_wait3A_712 = tpu.memref_slice %arg12[%mul3A_2, %dma_wait3A_711] : memref<10240x128xf32, #tpu.memory_space<vmem_shared>> -> memref<8x128xf32, #tpu.memory_space<vmem_shared>>
        %dma_wait3A_713 = arith.constant 0 : i32
        %dma_wait3A_714 = tpu.memref_slice %arg12[%mul3A_2, %dma_wait3A_713] : memref<10240x128xf32, #tpu.memory_space<vmem_shared>> -> memref<8x128xf32, #tpu.memory_space<vmem_shared>>
        tpu.wait_dma2 semaphore(%arg20 : memref<!tpu.dma_semaphore, #tpu.memory_space<semaphore_mem>>) src(%arg11 : memref<8x128xf32, #tpu.memory_space<vmem>>) dst(%dma_wait3A_714 : memref<8x128xf32, #tpu.memory_space<vmem_shared>>)
        %while3A_715 = arith.constant 0 : i32
        scf.yield %while3A_715 : i32
      }
    } else {
    }
    %barrier3A = arith.constant 0 : index
    tpu.barrier barrier_id(%barrier3A)
    %dma_wait3A = arith.constant 0 : i32
    %dma_wait3A_18 = arith.constant 0 : i32
    %dma_wait3A_19 = tpu.memref_slice %arg3[%add3A, %dma_wait3A, %dma_wait3A_18] : memref<32x125x80xi32, #tpu.memory_space<hbm>> -> memref<1x125x80xi32, #tpu.memory_space<hbm>>
    %dma_wait3A_20 = tpu.memref_squeeze %dma_wait3A_19 : memref<1x125x80xi32, #tpu.memory_space<hbm>> -> memref<125x80xi32, #tpu.memory_space<hbm>>
    %dma_wait3A_21 = arith.constant 0 : i32
    %dma_wait3A_22 = arith.constant 0 : i32
    %dma_wait3A_23 = tpu.memref_slice %arg3[%add3A, %dma_wait3A_21, %dma_wait3A_22] : memref<32x125x80xi32, #tpu.memory_space<hbm>> -> memref<1x125x80xi32, #tpu.memory_space<hbm>>
    %dma_wait3A_24 = tpu.memref_squeeze %dma_wait3A_23 : memref<1x125x80xi32, #tpu.memory_space<hbm>> -> memref<125x80xi32, #tpu.memory_space<hbm>>
    tpu.wait_dma2 semaphore(%arg19 : memref<!tpu.dma_semaphore, #tpu.memory_space<semaphore_mem>>) src(%dma_wait3A_24 : memref<125x80xi32, #tpu.memory_space<hbm>>) dst(%arg5 : memref<125x80xi32, #tpu.memory_space<vmem>>)
    %get3A = arith.constant 0 : i32
    %get3A_25 = arith.index_cast %get3A : i32 to index
    %get3A_26 = arith.constant 0 : index
    %get3A_27 = tpu.vector_load %arg5[%get3A_25, %get3A_26] {strides = array<i32>} : memref<125x80xi32, #tpu.memory_space<vmem>>, vector<1x16xi32>,
    %get3A_28 = vector.shape_cast %get3A_27 : vector<1x16xi32> to vector<16xi32>
    %shift_right_logical3A = arith.constant 16 : i32
    %shift_right_logical3A_29 = vector.broadcast %shift_right_logical3A : i32 to vector<16xi32>
    %shift_right_logical3A_30 = arith.shrui %get3A_28, %shift_right_logical3A_29 : vector<16xi32>
    %swap3A = arith.constant 0 : i32
    %swap3A_31 = arith.index_cast %swap3A : i32 to index
    %swap3A_32 = arith.constant 0 : index
    %swap3A_33 = tpu.vector_load %arg6[%swap3A_31, %swap3A_32] {strides = array<i32>} : memref<3x80xi32, #tpu.memory_space<vmem>>, vector<1x16xi32>,
    %swap3A_34 = vector.shape_cast %swap3A_33 : vector<1x16xi32> to vector<16xi32>
    %swap3A_35 = vector.shape_cast %shift_right_logical3A_30 : vector<16xi32> to vector<1x16xi32>
    tpu.vector_store %arg6[%swap3A_31, %swap3A_32], %swap3A_35 {strides = array<i32>} : memref<3x80xi32, #tpu.memory_space<vmem>>, vector<1x16xi32>,
    %and3A = arith.constant 65535 : i32
    %and3A_36 = vector.broadcast %and3A : i32 to vector<16xi32>
    %and3A_37 = arith.andi %get3A_28, %and3A_36 : vector<16xi32>
    %swap3A_38 = arith.constant 0 : i32
    %swap3A_39 = arith.index_cast %swap3A_38 : i32 to index
    %swap3A_40 = arith.constant 0 : index
    %swap3A_41 = tpu.vector_load %arg7[%swap3A_39, %swap3A_40] {strides = array<i32>} : memref<3x80xi32, #tpu.memory_space<vmem>>, vector<1x16xi32>,
    %swap3A_42 = vector.shape_cast %swap3A_41 : vector<1x16xi32> to vector<16xi32>
    %swap3A_43 = vector.shape_cast %and3A_37 : vector<16xi32> to vector<1x16xi32>
    tpu.vector_store %arg7[%swap3A_39, %swap3A_40], %swap3A_43 {strides = array<i32>} : memref<3x80xi32, #tpu.memory_space<vmem>>, vector<1x16xi32>,
    %get3A_44 = arith.constant 0 : i32
    %get3A_45 = arith.index_cast %get3A_44 : i32 to index
    %get3A_46 = arith.constant 16 : index
    %get3A_47 = tpu.vector_load %arg5[%get3A_45, %get3A_46] {strides = array<i32>} : memref<125x80xi32, #tpu.memory_space<vmem>>, vector<1x16xi32>,
    %get3A_48 = vector.shape_cast %get3A_47 : vector<1x16xi32> to vector<16xi32>
    %shift_right_logical3A_49 = arith.constant 16 : i32
    %shift_right_logical3A_50 = vector.broadcast %shift_right_logical3A_49 : i32 to vector<16xi32>
    %shift_right_logical3A_51 = arith.shrui %get3A_48, %shift_right_logical3A_50 : vector<16xi32>
    %swap3A_52 = arith.constant 0 : i32
    %swap3A_53 = arith.index_cast %swap3A_52 : i32 to index
    %swap3A_54 = arith.constant 16 : index
    %swap3A_55 = tpu.vector_load %arg6[%swap3A_53, %swap3A_54] {strides = array<i32>} : memref<3x80xi32, #tpu.memory_space<vmem>>, vector<1x16xi32>,
    %swap3A_56 = vector.shape_cast %swap3A_55 : vector<1x16xi32> to vector<16xi32>
    %swap3A_57 = vector.shape_cast %shift_right_logical3A_51 : vector<16xi32> to vector<1x16xi32>
    tpu.vector_store %arg6[%swap3A_53, %swap3A_54], %swap3A_57 {strides = array<i32>} : memref<3x80xi32, #tpu.memory_space<vmem>>, vector<1x16xi32>,
    %and3A_58 = arith.constant 65535 : i32
    %and3A_59 = vector.broadcast %and3A_58 : i32 to vector<16xi32>
    %and3A_60 = arith.andi %get3A_48, %and3A_59 : vector<16xi32>
    %swap3A_61 = arith.constant 0 : i32
    %swap3A_62 = arith.index_cast %swap3A_61 : i32 to index
    %swap3A_63 = arith.constant 16 : index
    %swap3A_64 = tpu.vector_load %arg7[%swap3A_62, %swap3A_63] {strides = array<i32>} : memref<3x80xi32, #tpu.memory_space<vmem>>, vector<1x16xi32>,
    %swap3A_65 = vector.shape_cast %swap3A_64 : vector<1x16xi32> to vector<16xi32>
    %swap3A_66 = vector.shape_cast %and3A_60 : vector<16xi32> to vector<1x16xi32>
    tpu.vector_store %arg7[%swap3A_62, %swap3A_63], %swap3A_66 {strides = array<i32>} : memref<3x80xi32, #tpu.memory_space<vmem>>, vector<1x16xi32>,
    %get3A_67 = arith.constant 0 : i32
    %get3A_68 = arith.index_cast %get3A_67 : i32 to index
    %get3A_69 = arith.constant 32 : index
    %get3A_70 = tpu.vector_load %arg5[%get3A_68, %get3A_69] {strides = array<i32>} : memref<125x80xi32, #tpu.memory_space<vmem>>, vector<1x16xi32>,
    %get3A_71 = vector.shape_cast %get3A_70 : vector<1x16xi32> to vector<16xi32>
    %shift_right_logical3A_72 = arith.constant 16 : i32
    %shift_right_logical3A_73 = vector.broadcast %shift_right_logical3A_72 : i32 to vector<16xi32>
    %shift_right_logical3A_74 = arith.shrui %get3A_71, %shift_right_logical3A_73 : vector<16xi32>
    %swap3A_75 = arith.constant 0 : i32
    %swap3A_76 = arith.index_cast %swap3A_75 : i32 to index
    %swap3A_77 = arith.constant 32 : index
    %swap3A_78 = tpu.vector_load %arg6[%swap3A_76, %swap3A_77] {strides = array<i32>} : memref<3x80xi32, #tpu.memory_space<vmem>>, vector<1x16xi32>,
    %swap3A_79 = vector.shape_cast %swap3A_78 : vector<1x16xi32> to vector<16xi32>
    %swap3A_80 = vector.shape_cast %shift_right_logical3A_74 : vector<16xi32> to vector<1x16xi32>
    tpu.vector_store %arg6[%swap3A_76, %swap3A_77], %swap3A_80 {strides = array<i32>} : memref<3x80xi32, #tpu.memory_space<vmem>>, vector<1x16xi32>,
    %and3A_81 = arith.constant 65535 : i32
    %and3A_82 = vector.broadcast %and3A_81 : i32 to vector<16xi32>
    %and3A_83 = arith.andi %get3A_71, %and3A_82 : vector<16xi32>
    %swap3A_84 = arith.constant 0 : i32
    %swap3A_85 = arith.index_cast %swap3A_84 : i32 to index
    %swap3A_86 = arith.constant 32 : index
    %swap3A_87 = tpu.vector_load %arg7[%swap3A_85, %swap3A_86] {strides = array<i32>} : memref<3x80xi32, #tpu.memory_space<vmem>>, vector<1x16xi32>,
    %swap3A_88 = vector.shape_cast %swap3A_87 : vector<1x16xi32> to vector<16xi32>
    %swap3A_89 = vector.shape_cast %and3A_83 : vector<16xi32> to vector<1x16xi32>
    tpu.vector_store %arg7[%swap3A_85, %swap3A_86], %swap3A_89 {strides = array<i32>} : memref<3x80xi32, #tpu.memory_space<vmem>>, vector<1x16xi32>,
    %get3A_90 = arith.constant 0 : i32
    %get3A_91 = arith.index_cast %get3A_90 : i32 to index
    %get3A_92 = arith.constant 48 : index
    %get3A_93 = tpu.vector_load %arg5[%get3A_91, %get3A_92] {strides = array<i32>} : memref<125x80xi32, #tpu.memory_space<vmem>>, vector<1x16xi32>,
    %get3A_94 = vector.shape_cast %get3A_93 : vector<1x16xi32> to vector<16xi32>
    %shift_right_logical3A_95 = arith.constant 16 : i32
    %shift_right_logical3A_96 = vector.broadcast %shift_right_logical3A_95 : i32 to vector<16xi32>
    %shift_right_logical3A_97 = arith.shrui %get3A_94, %shift_right_logical3A_96 : vector<16xi32>
    %swap3A_98 = arith.constant 0 : i32
    %swap3A_99 = arith.index_cast %swap3A_98 : i32 to index
    %swap3A_100 = arith.constant 48 : index
    %swap3A_101 = tpu.vector_load %arg6[%swap3A_99, %swap3A_100] {strides = array<i32>} : memref<3x80xi32, #tpu.memory_space<vmem>>, vector<1x16xi32>,
    %swap3A_102 = vector.shape_cast %swap3A_101 : vector<1x16xi32> to vector<16xi32>
    %swap3A_103 = vector.shape_cast %shift_right_logical3A_97 : vector<16xi32> to vector<1x16xi32>
    tpu.vector_store %arg6[%swap3A_99, %swap3A_100], %swap3A_103 {strides = array<i32>} : memref<3x80xi32, #tpu.memory_space<vmem>>, vector<1x16xi32>,
    %and3A_104 = arith.constant 65535 : i32
    %and3A_105 = vector.broadcast %and3A_104 : i32 to vector<16xi32>
    %and3A_106 = arith.andi %get3A_94, %and3A_105 : vector<16xi32>
    %swap3A_107 = arith.constant 0 : i32
    %swap3A_108 = arith.index_cast %swap3A_107 : i32 to index
    %swap3A_109 = arith.constant 48 : index
    %swap3A_110 = tpu.vector_load %arg7[%swap3A_108, %swap3A_109] {strides = array<i32>} : memref<3x80xi32, #tpu.memory_space<vmem>>, vector<1x16xi32>,
    %swap3A_111 = vector.shape_cast %swap3A_110 : vector<1x16xi32> to vector<16xi32>
    %swap3A_112 = vector.shape_cast %and3A_106 : vector<16xi32> to vector<1x16xi32>
    tpu.vector_store %arg7[%swap3A_108, %swap3A_109], %swap3A_112 {strides = array<i32>} : memref<3x80xi32, #tpu.memory_space<vmem>>, vector<1x16xi32>,
    %get3A_113 = arith.constant 0 : i32
    %get3A_114 = arith.index_cast %get3A_113 : i32 to index
    %get3A_115 = arith.constant 64 : index
    %get3A_116 = tpu.vector_load %arg5[%get3A_114, %get3A_115] {strides = array<i32>} : memref<125x80xi32, #tpu.memory_space<vmem>>, vector<1x16xi32>,
    %get3A_117 = vector.shape_cast %get3A_116 : vector<1x16xi32> to vector<16xi32>
    %shift_right_logical3A_118 = arith.constant 16 : i32
    %shift_right_logical3A_119 = vector.broadcast %shift_right_logical3A_118 : i32 to vector<16xi32>
    %shift_right_logical3A_120 = arith.shrui %get3A_117, %shift_right_logical3A_119 : vector<16xi32>
    %swap3A_121 = arith.constant 0 : i32
    %swap3A_122 = arith.index_cast %swap3A_121 : i32 to index
    %swap3A_123 = arith.constant 64 : index
    %swap3A_124 = tpu.vector_load %arg6[%swap3A_122, %swap3A_123] {strides = array<i32>} : memref<3x80xi32, #tpu.memory_space<vmem>>, vector<1x16xi32>,
    %swap3A_125 = vector.shape_cast %swap3A_124 : vector<1x16xi32> to vector<16xi32>
    %swap3A_126 = vector.shape_cast %shift_right_logical3A_120 : vector<16xi32> to vector<1x16xi32>
    tpu.vector_store %arg6[%swap3A_122, %swap3A_123], %swap3A_126 {strides = array<i32>} : memref<3x80xi32, #tpu.memory_space<vmem>>, vector<1x16xi32>,
    %and3A_127 = arith.constant 65535 : i32
    %and3A_128 = vector.broadcast %and3A_127 : i32 to vector<16xi32>
    %and3A_129 = arith.andi %get3A_117, %and3A_128 : vector<16xi32>
    %swap3A_130 = arith.constant 0 : i32
    %swap3A_131 = arith.index_cast %swap3A_130 : i32 to index
    %swap3A_132 = arith.constant 64 : index
    %swap3A_133 = tpu.vector_load %arg7[%swap3A_131, %swap3A_132] {strides = array<i32>} : memref<3x80xi32, #tpu.memory_space<vmem>>, vector<1x16xi32>,
    %swap3A_134 = vector.shape_cast %swap3A_133 : vector<1x16xi32> to vector<16xi32>
    %swap3A_135 = vector.shape_cast %and3A_129 : vector<16xi32> to vector<1x16xi32>
    tpu.vector_store %arg7[%swap3A_131, %swap3A_132], %swap3A_135 {strides = array<i32>} : memref<3x80xi32, #tpu.memory_space<vmem>>, vector<1x16xi32>,
    %dma_start3A_136 = arith.constant 0 : i32
    %dma_start3A_137 = arith.constant 0 : i32
    %dma_start3A_138 = tpu.memref_slice %arg6[%dma_start3A_136, %dma_start3A_137] : memref<3x80xi32, #tpu.memory_space<vmem>> -> memref<1x80xi32, #tpu.memory_space<vmem>>
    %dma_start3A_139 = tpu.memref_squeeze %dma_start3A_138 : memref<1x80xi32, #tpu.memory_space<vmem>> -> memref<80xi32, #tpu.memory_space<vmem>>
    %dma_start3A_140 = arith.constant 0 : i32
    %dma_start3A_141 = arith.constant 0 : i32
    %dma_start3A_142 = tpu.memref_slice %arg2[%dma_start3A_140, %dma_start3A_141] : memref<10000x128xf32, #tpu.memory_space<hbm>> -> memref<10000x128xf32, #tpu.memory_space<hbm>>
    tpu.enqueue_indirect_dma source(%dma_start3A_142 : memref<10000x128xf32, #tpu.memory_space<hbm>>) target(%arg8 : memref<80x128xf32, #tpu.memory_space<vmem>>) offsets(%dma_start3A_139 : memref<80xi32, #tpu.memory_space<vmem>>) semaphore(%arg13 : memref<!tpu.dma_semaphore, #tpu.memory_space<semaphore_mem>>)
    %get3A_143 = arith.constant 1 : i32
    %get3A_144 = arith.index_cast %get3A_143 : i32 to index
    %get3A_145 = arith.constant 0 : index
    %get3A_146 = tpu.vector_load %arg5[%get3A_144, %get3A_145] {strides = array<i32>} : memref<125x80xi32, #tpu.memory_space<vmem>>, vector<1x16xi32>,
    %get3A_147 = vector.shape_cast %get3A_146 : vector<1x16xi32> to vector<16xi32>
    %shift_right_logical3A_148 = arith.constant 16 : i32
    %shift_right_logical3A_149 = vector.broadcast %shift_right_logical3A_148 : i32 to vector<16xi32>
    %shift_right_logical3A_150 = arith.shrui %get3A_147, %shift_right_logical3A_149 : vector<16xi32>
    %swap3A_151 = arith.constant 1 : i32
    %swap3A_152 = arith.index_cast %swap3A_151 : i32 to index
    %swap3A_153 = arith.constant 0 : index
    %swap3A_154 = tpu.vector_load %arg6[%swap3A_152, %swap3A_153] {strides = array<i32>} : memref<3x80xi32, #tpu.memory_space<vmem>>, vector<1x16xi32>,
    %swap3A_155 = vector.shape_cast %swap3A_154 : vector<1x16xi32> to vector<16xi32>
    %swap3A_156 = vector.shape_cast %shift_right_logical3A_150 : vector<16xi32> to vector<1x16xi32>
    tpu.vector_store %arg6[%swap3A_152, %swap3A_153], %swap3A_156 {strides = array<i32>} : memref<3x80xi32, #tpu.memory_space<vmem>>, vector<1x16xi32>,
    %and3A_157 = arith.constant 65535 : i32
    %and3A_158 = vector.broadcast %and3A_157 : i32 to vector<16xi32>
    %and3A_159 = arith.andi %get3A_147, %and3A_158 : vector<16xi32>
    %swap3A_160 = arith.constant 1 : i32
    %swap3A_161 = arith.index_cast %swap3A_160 : i32 to index
    %swap3A_162 = arith.constant 0 : index
    %swap3A_163 = tpu.vector_load %arg7[%swap3A_161, %swap3A_162] {strides = array<i32>} : memref<3x80xi32, #tpu.memory_space<vmem>>, vector<1x16xi32>,
    %swap3A_164 = vector.shape_cast %swap3A_163 : vector<1x16xi32> to vector<16xi32>
    %swap3A_165 = vector.shape_cast %and3A_159 : vector<16xi32> to vector<1x16xi32>
    tpu.vector_store %arg7[%swap3A_161, %swap3A_162], %swap3A_165 {strides = array<i32>} : memref<3x80xi32, #tpu.memory_space<vmem>>, vector<1x16xi32>,
    %get3A_166 = arith.constant 1 : i32
    %get3A_167 = arith.index_cast %get3A_166 : i32 to index
    %get3A_168 = arith.constant 16 : index
    %get3A_169 = tpu.vector_load %arg5[%get3A_167, %get3A_168] {strides = array<i32>} : memref<125x80xi32, #tpu.memory_space<vmem>>, vector<1x16xi32>,
    %get3A_170 = vector.shape_cast %get3A_169 : vector<1x16xi32> to vector<16xi32>
    %shift_right_logical3A_171 = arith.constant 16 : i32
    %shift_right_logical3A_172 = vector.broadcast %shift_right_logical3A_171 : i32 to vector<16xi32>
    %shift_right_logical3A_173 = arith.shrui %get3A_170, %shift_right_logical3A_172 : vector<16xi32>
    %swap3A_174 = arith.constant 1 : i32
    %swap3A_175 = arith.index_cast %swap3A_174 : i32 to index
    %swap3A_176 = arith.constant 16 : index
    %swap3A_177 = tpu.vector_load %arg6[%swap3A_175, %swap3A_176] {strides = array<i32>} : memref<3x80xi32, #tpu.memory_space<vmem>>, vector<1x16xi32>,
    %swap3A_178 = vector.shape_cast %swap3A_177 : vector<1x16xi32> to vector<16xi32>
    %swap3A_179 = vector.shape_cast %shift_right_logical3A_173 : vector<16xi32> to vector<1x16xi32>
    tpu.vector_store %arg6[%swap3A_175, %swap3A_176], %swap3A_179 {strides = array<i32>} : memref<3x80xi32, #tpu.memory_space<vmem>>, vector<1x16xi32>,
    %and3A_180 = arith.constant 65535 : i32
    %and3A_181 = vector.broadcast %and3A_180 : i32 to vector<16xi32>
    %and3A_182 = arith.andi %get3A_170, %and3A_181 : vector<16xi32>
    %swap3A_183 = arith.constant 1 : i32
    %swap3A_184 = arith.index_cast %swap3A_183 : i32 to index
    %swap3A_185 = arith.constant 16 : index
    %swap3A_186 = tpu.vector_load %arg7[%swap3A_184, %swap3A_185] {strides = array<i32>} : memref<3x80xi32, #tpu.memory_space<vmem>>, vector<1x16xi32>,
    %swap3A_187 = vector.shape_cast %swap3A_186 : vector<1x16xi32> to vector<16xi32>
    %swap3A_188 = vector.shape_cast %and3A_182 : vector<16xi32> to vector<1x16xi32>
    tpu.vector_store %arg7[%swap3A_184, %swap3A_185], %swap3A_188 {strides = array<i32>} : memref<3x80xi32, #tpu.memory_space<vmem>>, vector<1x16xi32>,
    %get3A_189 = arith.constant 1 : i32
    %get3A_190 = arith.index_cast %get3A_189 : i32 to index
    %get3A_191 = arith.constant 32 : index
    %get3A_192 = tpu.vector_load %arg5[%get3A_190, %get3A_191] {strides = array<i32>} : memref<125x80xi32, #tpu.memory_space<vmem>>, vector<1x16xi32>,
    %get3A_193 = vector.shape_cast %get3A_192 : vector<1x16xi32> to vector<16xi32>
    %shift_right_logical3A_194 = arith.constant 16 : i32
    %shift_right_logical3A_195 = vector.broadcast %shift_right_logical3A_194 : i32 to vector<16xi32>
    %shift_right_logical3A_196 = arith.shrui %get3A_193, %shift_right_logical3A_195 : vector<16xi32>
    %swap3A_197 = arith.constant 1 : i32
    %swap3A_198 = arith.index_cast %swap3A_197 : i32 to index
    %swap3A_199 = arith.constant 32 : index
    %swap3A_200 = tpu.vector_load %arg6[%swap3A_198, %swap3A_199] {strides = array<i32>} : memref<3x80xi32, #tpu.memory_space<vmem>>, vector<1x16xi32>,
    %swap3A_201 = vector.shape_cast %swap3A_200 : vector<1x16xi32> to vector<16xi32>
    %swap3A_202 = vector.shape_cast %shift_right_logical3A_196 : vector<16xi32> to vector<1x16xi32>
    tpu.vector_store %arg6[%swap3A_198, %swap3A_199], %swap3A_202 {strides = array<i32>} : memref<3x80xi32, #tpu.memory_space<vmem>>, vector<1x16xi32>,
    %and3A_203 = arith.constant 65535 : i32
    %and3A_204 = vector.broadcast %and3A_203 : i32 to vector<16xi32>
    %and3A_205 = arith.andi %get3A_193, %and3A_204 : vector<16xi32>
    %swap3A_206 = arith.constant 1 : i32
    %swap3A_207 = arith.index_cast %swap3A_206 : i32 to index
    %swap3A_208 = arith.constant 32 : index
    %swap3A_209 = tpu.vector_load %arg7[%swap3A_207, %swap3A_208] {strides = array<i32>} : memref<3x80xi32, #tpu.memory_space<vmem>>, vector<1x16xi32>,
    %swap3A_210 = vector.shape_cast %swap3A_209 : vector<1x16xi32> to vector<16xi32>
    %swap3A_211 = vector.shape_cast %and3A_205 : vector<16xi32> to vector<1x16xi32>
    tpu.vector_store %arg7[%swap3A_207, %swap3A_208], %swap3A_211 {strides = array<i32>} : memref<3x80xi32, #tpu.memory_space<vmem>>, vector<1x16xi32>,
    %get3A_212 = arith.constant 1 : i32
    %get3A_213 = arith.index_cast %get3A_212 : i32 to index
    %get3A_214 = arith.constant 48 : index
    %get3A_215 = tpu.vector_load %arg5[%get3A_213, %get3A_214] {strides = array<i32>} : memref<125x80xi32, #tpu.memory_space<vmem>>, vector<1x16xi32>,
    %get3A_216 = vector.shape_cast %get3A_215 : vector<1x16xi32> to vector<16xi32>
    %shift_right_logical3A_217 = arith.constant 16 : i32
    %shift_right_logical3A_218 = vector.broadcast %shift_right_logical3A_217 : i32 to vector<16xi32>
    %shift_right_logical3A_219 = arith.shrui %get3A_216, %shift_right_logical3A_218 : vector<16xi32>
    %swap3A_220 = arith.constant 1 : i32
    %swap3A_221 = arith.index_cast %swap3A_220 : i32 to index
    %swap3A_222 = arith.constant 48 : index
    %swap3A_223 = tpu.vector_load %arg6[%swap3A_221, %swap3A_222] {strides = array<i32>} : memref<3x80xi32, #tpu.memory_space<vmem>>, vector<1x16xi32>,
    %swap3A_224 = vector.shape_cast %swap3A_223 : vector<1x16xi32> to vector<16xi32>
    %swap3A_225 = vector.shape_cast %shift_right_logical3A_219 : vector<16xi32> to vector<1x16xi32>
    tpu.vector_store %arg6[%swap3A_221, %swap3A_222], %swap3A_225 {strides = array<i32>} : memref<3x80xi32, #tpu.memory_space<vmem>>, vector<1x16xi32>,
    %and3A_226 = arith.constant 65535 : i32
    %and3A_227 = vector.broadcast %and3A_226 : i32 to vector<16xi32>
    %and3A_228 = arith.andi %get3A_216, %and3A_227 : vector<16xi32>
    %swap3A_229 = arith.constant 1 : i32
    %swap3A_230 = arith.index_cast %swap3A_229 : i32 to index
    %swap3A_231 = arith.constant 48 : index
    %swap3A_232 = tpu.vector_load %arg7[%swap3A_230, %swap3A_231] {strides = array<i32>} : memref<3x80xi32, #tpu.memory_space<vmem>>, vector<1x16xi32>,
    %swap3A_233 = vector.shape_cast %swap3A_232 : vector<1x16xi32> to vector<16xi32>
    %swap3A_234 = vector.shape_cast %and3A_228 : vector<16xi32> to vector<1x16xi32>
    tpu.vector_store %arg7[%swap3A_230, %swap3A_231], %swap3A_234 {strides = array<i32>} : memref<3x80xi32, #tpu.memory_space<vmem>>, vector<1x16xi32>,
    %get3A_235 = arith.constant 1 : i32
    %get3A_236 = arith.index_cast %get3A_235 : i32 to index
    %get3A_237 = arith.constant 64 : index
    %get3A_238 = tpu.vector_load %arg5[%get3A_236, %get3A_237] {strides = array<i32>} : memref<125x80xi32, #tpu.memory_space<vmem>>, vector<1x16xi32>,
    %get3A_239 = vector.shape_cast %get3A_238 : vector<1x16xi32> to vector<16xi32>
    %shift_right_logical3A_240 = arith.constant 16 : i32
    %shift_right_logical3A_241 = vector.broadcast %shift_right_logical3A_240 : i32 to vector<16xi32>
    %shift_right_logical3A_242 = arith.shrui %get3A_239, %shift_right_logical3A_241 : vector<16xi32>
    %swap3A_243 = arith.constant 1 : i32
    %swap3A_244 = arith.index_cast %swap3A_243 : i32 to index
    %swap3A_245 = arith.constant 64 : index
    %swap3A_246 = tpu.vector_load %arg6[%swap3A_244, %swap3A_245] {strides = array<i32>} : memref<3x80xi32, #tpu.memory_space<vmem>>, vector<1x16xi32>,
    %swap3A_247 = vector.shape_cast %swap3A_246 : vector<1x16xi32> to vector<16xi32>
    %swap3A_248 = vector.shape_cast %shift_right_logical3A_242 : vector<16xi32> to vector<1x16xi32>
    tpu.vector_store %arg6[%swap3A_244, %swap3A_245], %swap3A_248 {strides = array<i32>} : memref<3x80xi32, #tpu.memory_space<vmem>>, vector<1x16xi32>,
    %and3A_249 = arith.constant 65535 : i32
    %and3A_250 = vector.broadcast %and3A_249 : i32 to vector<16xi32>
    %and3A_251 = arith.andi %get3A_239, %and3A_250 : vector<16xi32>
    %swap3A_252 = arith.constant 1 : i32
    %swap3A_253 = arith.index_cast %swap3A_252 : i32 to index
    %swap3A_254 = arith.constant 64 : index
    %swap3A_255 = tpu.vector_load %arg7[%swap3A_253, %swap3A_254] {strides = array<i32>} : memref<3x80xi32, #tpu.memory_space<vmem>>, vector<1x16xi32>,
    %swap3A_256 = vector.shape_cast %swap3A_255 : vector<1x16xi32> to vector<16xi32>
    %swap3A_257 = vector.shape_cast %and3A_251 : vector<16xi32> to vector<1x16xi32>
    tpu.vector_store %arg7[%swap3A_253, %swap3A_254], %swap3A_257 {strides = array<i32>} : memref<3x80xi32, #tpu.memory_space<vmem>>, vector<1x16xi32>,
    %dma_start3A_258 = arith.constant 1 : i32
    %dma_start3A_259 = arith.constant 0 : i32
    %dma_start3A_260 = tpu.memref_slice %arg6[%dma_start3A_258, %dma_start3A_259] : memref<3x80xi32, #tpu.memory_space<vmem>> -> memref<1x80xi32, #tpu.memory_space<vmem>>
    %dma_start3A_261 = tpu.memref_squeeze %dma_start3A_260 : memref<1x80xi32, #tpu.memory_space<vmem>> -> memref<80xi32, #tpu.memory_space<vmem>>
    %dma_start3A_262 = arith.constant 0 : i32
    %dma_start3A_263 = arith.constant 0 : i32
    %dma_start3A_264 = tpu.memref_slice %arg2[%dma_start3A_262, %dma_start3A_263] : memref<10000x128xf32, #tpu.memory_space<hbm>> -> memref<10000x128xf32, #tpu.memory_space<hbm>>
    tpu.enqueue_indirect_dma source(%dma_start3A_264 : memref<10000x128xf32, #tpu.memory_space<hbm>>) target(%arg9 : memref<80x128xf32, #tpu.memory_space<vmem>>) offsets(%dma_start3A_261 : memref<80xi32, #tpu.memory_space<vmem>>) semaphore(%arg14 : memref<!tpu.dma_semaphore, #tpu.memory_space<semaphore_mem>>)
    %scan3A = arith.constant 0 : i32
    %scan3A_265 = arith.constant 0 : i32
    %scan3A_266 = arith.constant 42 : i32
    %scan3A_267 = arith.addi %scan3A_265, %scan3A_266 : i32
    %scan3A_268 = arith.constant 1 : i32
    %scan3A_269 = scf.for %scan3A_300 = %scan3A_265 to %scan3A_267 step %scan3A_268 iter_args(%scan3A_301 = %scan3A) -> (i32)  : i32 {
      %mul3A_302 = arith.constant 3 : i32
      %mul3A_303 = arith.muli %mul3A_302, %scan3A_300 : i32
      %add3A_304 = arith.constant 0 : i32
      %add3A_305 = arith.addi %mul3A_303, %add3A_304 : i32
      %lt3A = arith.constant 125 : i32
      %lt3A_306 = arith.cmpi slt, %add3A_305, %lt3A : i32
      %convert_element_type3A_307 = arith.extui %lt3A_306 : i1 to i32
      %cond3A_308 = arith.constant 0 : i32
      %cond3A_309 = arith.cmpi ne, %convert_element_type3A_307, %cond3A_308 : i32
      scf.if %cond3A_309 {
        %dma_wait3A_350 = arith.constant 0 : i32
        %dma_wait3A_351 = arith.constant 0 : i32
        %dma_wait3A_352 = tpu.memref_slice %arg2[%dma_wait3A_350, %dma_wait3A_351] : memref<10000x128xf32, #tpu.memory_space<hbm>> -> memref<80x128xf32, #tpu.memory_space<hbm>>
        %dma_wait3A_353 = arith.constant 0 : i32
        %dma_wait3A_354 = arith.constant 0 : i32
        %dma_wait3A_355 = tpu.memref_slice %arg2[%dma_wait3A_353, %dma_wait3A_354] : memref<10000x128xf32, #tpu.memory_space<hbm>> -> memref<80x128xf32, #tpu.memory_space<hbm>>
        tpu.wait_dma2 semaphore(%arg13 : memref<!tpu.dma_semaphore, #tpu.memory_space<semaphore_mem>>) src(%dma_wait3A_355 : memref<80x128xf32, #tpu.memory_space<hbm>>) dst(%arg8 : memref<80x128xf32, #tpu.memory_space<vmem>>)
        %dma_start3A_356 = arith.constant 0 : i32
        %dma_start3A_357 = arith.constant 0 : i32
        %dma_start3A_358 = tpu.memref_slice %arg7[%dma_start3A_356, %dma_start3A_357] : memref<3x80xi32, #tpu.memory_space<vmem>> -> memref<1x80xi32, #tpu.memory_space<vmem>>
        %dma_start3A_359 = tpu.memref_squeeze %dma_start3A_358 : memref<1x80xi32, #tpu.memory_space<vmem>> -> memref<80xi32, #tpu.memory_space<vmem>>
        %dma_start3A_360 = arith.constant 0 : i32
        %dma_start3A_361 = arith.constant 0 : i32
        %dma_start3A_362 = tpu.memref_slice %arg12[%dma_start3A_360, %dma_start3A_361] : memref<10240x128xf32, #tpu.memory_space<vmem_shared>> -> memref<10240x128xf32, #tpu.memory_space<vmem_shared>>
        tpu.enqueue_indirect_dma source(%arg8 : memref<80x128xf32, #tpu.memory_space<vmem>>) target(%dma_start3A_362 : memref<10240x128xf32, #tpu.memory_space<vmem_shared>>) offsets(%dma_start3A_359 : memref<80xi32, #tpu.memory_space<vmem>>) semaphore(%arg16 : memref<!tpu.dma_semaphore, #tpu.memory_space<semaphore_mem>>) {add = true}
      } else {
      }
      %add3A_310 = arith.constant 2 : i32
      %add3A_311 = arith.addi %add3A_305, %add3A_310 : i32
      %lt3A_312 = arith.constant 125 : i32
      %lt3A_313 = arith.cmpi slt, %add3A_311, %lt3A_312 : i32
      %convert_element_type3A_314 = arith.extui %lt3A_313 : i1 to i32
      %cond3A_315 = arith.constant 0 : i32
      %cond3A_316 = arith.cmpi ne, %convert_element_type3A_314, %cond3A_315 : i32
      scf.if %cond3A_316 {
        %ge3A = arith.constant 1 : i32
        %ge3A_350 = arith.cmpi sge, %add3A_305, %ge3A : i32
        %convert_element_type3A_351 = arith.extui %ge3A_350 : i1 to i32
        %cond3A_352 = arith.constant 0 : i32
        %cond3A_353 = arith.cmpi ne, %convert_element_type3A_351, %cond3A_352 : i32
        scf.if %cond3A_353 {
          %dma_wait3A_473 = arith.constant 0 : i32
          %dma_wait3A_474 = arith.constant 0 : i32
          %dma_wait3A_475 = tpu.memref_slice %arg12[%dma_wait3A_473, %dma_wait3A_474] : memref<10240x128xf32, #tpu.memory_space<vmem_shared>> -> memref<80x128xf32, #tpu.memory_space<vmem_shared>>
          %dma_wait3A_476 = arith.constant 0 : i32
          %dma_wait3A_477 = arith.constant 0 : i32
          %dma_wait3A_478 = tpu.memref_slice %arg12[%dma_wait3A_476, %dma_wait3A_477] : memref<10240x128xf32, #tpu.memory_space<vmem_shared>> -> memref<80x128xf32, #tpu.memory_space<vmem_shared>>
          tpu.wait_dma2 semaphore(%arg18 : memref<!tpu.dma_semaphore, #tpu.memory_space<semaphore_mem>>) src(%arg10 : memref<80x128xf32, #tpu.memory_space<vmem>>) dst(%dma_wait3A_478 : memref<80x128xf32, #tpu.memory_space<vmem_shared>>)
        } else {
        }
        %add3A_354 = arith.constant 2 : i32
        %add3A_355 = arith.addi %add3A_305, %add3A_354 : i32
        %get3A_356 = arith.index_cast %add3A_355 : i32 to index
        %get3A_357 = arith.constant 0 : index
        %get3A_358 = tpu.vector_load %arg5[%get3A_356, %get3A_357] {strides = array<i32>} : memref<125x80xi32, #tpu.memory_space<vmem>>, vector<1x16xi32>,
        %get3A_359 = vector.shape_cast %get3A_358 : vector<1x16xi32> to vector<16xi32>
        %shift_right_logical3A_360 = arith.constant 16 : i32
        %shift_right_logical3A_361 = vector.broadcast %shift_right_logical3A_360 : i32 to vector<16xi32>
        %shift_right_logical3A_362 = arith.shrui %get3A_359, %shift_right_logical3A_361 : vector<16xi32>
        %swap3A_363 = arith.constant 2 : i32
        %swap3A_364 = arith.index_cast %swap3A_363 : i32 to index
        %swap3A_365 = arith.constant 0 : index
        %swap3A_366 = tpu.vector_load %arg6[%swap3A_364, %swap3A_365] {strides = array<i32>} : memref<3x80xi32, #tpu.memory_space<vmem>>, vector<1x16xi32>,
        %swap3A_367 = vector.shape_cast %swap3A_366 : vector<1x16xi32> to vector<16xi32>
        %swap3A_368 = vector.shape_cast %shift_right_logical3A_362 : vector<16xi32> to vector<1x16xi32>
        tpu.vector_store %arg6[%swap3A_364, %swap3A_365], %swap3A_368 {strides = array<i32>} : memref<3x80xi32, #tpu.memory_space<vmem>>, vector<1x16xi32>,
        %and3A_369 = arith.constant 65535 : i32
        %and3A_370 = vector.broadcast %and3A_369 : i32 to vector<16xi32>
        %and3A_371 = arith.andi %get3A_359, %and3A_370 : vector<16xi32>
        %swap3A_372 = arith.constant 2 : i32
        %swap3A_373 = arith.index_cast %swap3A_372 : i32 to index
        %swap3A_374 = arith.constant 0 : index
        %swap3A_375 = tpu.vector_load %arg7[%swap3A_373, %swap3A_374] {strides = array<i32>} : memref<3x80xi32, #tpu.memory_space<vmem>>, vector<1x16xi32>,
        %swap3A_376 = vector.shape_cast %swap3A_375 : vector<1x16xi32> to vector<16xi32>
        %swap3A_377 = vector.shape_cast %and3A_371 : vector<16xi32> to vector<1x16xi32>
        tpu.vector_store %arg7[%swap3A_373, %swap3A_374], %swap3A_377 {strides = array<i32>} : memref<3x80xi32, #tpu.memory_space<vmem>>, vector<1x16xi32>,
        %get3A_378 = arith.index_cast %add3A_355 : i32 to index
        %get3A_379 = arith.constant 16 : index
        %get3A_380 = tpu.vector_load %arg5[%get3A_378, %get3A_379] {strides = array<i32>} : memref<125x80xi32, #tpu.memory_space<vmem>>, vector<1x16xi32>,
        %get3A_381 = vector.shape_cast %get3A_380 : vector<1x16xi32> to vector<16xi32>
        %shift_right_logical3A_382 = arith.constant 16 : i32
        %shift_right_logical3A_383 = vector.broadcast %shift_right_logical3A_382 : i32 to vector<16xi32>
        %shift_right_logical3A_384 = arith.shrui %get3A_381, %shift_right_logical3A_383 : vector<16xi32>
        %swap3A_385 = arith.constant 2 : i32
        %swap3A_386 = arith.index_cast %swap3A_385 : i32 to index
        %swap3A_387 = arith.constant 16 : index
        %swap3A_388 = tpu.vector_load %arg6[%swap3A_386, %swap3A_387] {strides = array<i32>} : memref<3x80xi32, #tpu.memory_space<vmem>>, vector<1x16xi32>,
        %swap3A_389 = vector.shape_cast %swap3A_388 : vector<1x16xi32> to vector<16xi32>
        %swap3A_390 = vector.shape_cast %shift_right_logical3A_384 : vector<16xi32> to vector<1x16xi32>
        tpu.vector_store %arg6[%swap3A_386, %swap3A_387], %swap3A_390 {strides = array<i32>} : memref<3x80xi32, #tpu.memory_space<vmem>>, vector<1x16xi32>,
        %and3A_391 = arith.constant 65535 : i32
        %and3A_392 = vector.broadcast %and3A_391 : i32 to vector<16xi32>
        %and3A_393 = arith.andi %get3A_381, %and3A_392 : vector<16xi32>
        %swap3A_394 = arith.constant 2 : i32
        %swap3A_395 = arith.index_cast %swap3A_394 : i32 to index
        %swap3A_396 = arith.constant 16 : index
        %swap3A_397 = tpu.vector_load %arg7[%swap3A_395, %swap3A_396] {strides = array<i32>} : memref<3x80xi32, #tpu.memory_space<vmem>>, vector<1x16xi32>,
        %swap3A_398 = vector.shape_cast %swap3A_397 : vector<1x16xi32> to vector<16xi32>
        %swap3A_399 = vector.shape_cast %and3A_393 : vector<16xi32> to vector<1x16xi32>
        tpu.vector_store %arg7[%swap3A_395, %swap3A_396], %swap3A_399 {strides = array<i32>} : memref<3x80xi32, #tpu.memory_space<vmem>>, vector<1x16xi32>,
        %get3A_400 = arith.index_cast %add3A_355 : i32 to index
        %get3A_401 = arith.constant 32 : index
        %get3A_402 = tpu.vector_load %arg5[%get3A_400, %get3A_401] {strides = array<i32>} : memref<125x80xi32, #tpu.memory_space<vmem>>, vector<1x16xi32>,
        %get3A_403 = vector.shape_cast %get3A_402 : vector<1x16xi32> to vector<16xi32>
        %shift_right_logical3A_404 = arith.constant 16 : i32
        %shift_right_logical3A_405 = vector.broadcast %shift_right_logical3A_404 : i32 to vector<16xi32>
        %shift_right_logical3A_406 = arith.shrui %get3A_403, %shift_right_logical3A_405 : vector<16xi32>
        %swap3A_407 = arith.constant 2 : i32
        %swap3A_408 = arith.index_cast %swap3A_407 : i32 to index
        %swap3A_409 = arith.constant 32 : index
        %swap3A_410 = tpu.vector_load %arg6[%swap3A_408, %swap3A_409] {strides = array<i32>} : memref<3x80xi32, #tpu.memory_space<vmem>>, vector<1x16xi32>,
        %swap3A_411 = vector.shape_cast %swap3A_410 : vector<1x16xi32> to vector<16xi32>
        %swap3A_412 = vector.shape_cast %shift_right_logical3A_406 : vector<16xi32> to vector<1x16xi32>
        tpu.vector_store %arg6[%swap3A_408, %swap3A_409], %swap3A_412 {strides = array<i32>} : memref<3x80xi32, #tpu.memory_space<vmem>>, vector<1x16xi32>,
        %and3A_413 = arith.constant 65535 : i32
        %and3A_414 = vector.broadcast %and3A_413 : i32 to vector<16xi32>
        %and3A_415 = arith.andi %get3A_403, %and3A_414 : vector<16xi32>
        %swap3A_416 = arith.constant 2 : i32
        %swap3A_417 = arith.index_cast %swap3A_416 : i32 to index
        %swap3A_418 = arith.constant 32 : index
        %swap3A_419 = tpu.vector_load %arg7[%swap3A_417, %swap3A_418] {strides = array<i32>} : memref<3x80xi32, #tpu.memory_space<vmem>>, vector<1x16xi32>,
        %swap3A_420 = vector.shape_cast %swap3A_419 : vector<1x16xi32> to vector<16xi32>
        %swap3A_421 = vector.shape_cast %and3A_415 : vector<16xi32> to vector<1x16xi32>
        tpu.vector_store %arg7[%swap3A_417, %swap3A_418], %swap3A_421 {strides = array<i32>} : memref<3x80xi32, #tpu.memory_space<vmem>>, vector<1x16xi32>,
        %get3A_422 = arith.index_cast %add3A_355 : i32 to index
        %get3A_423 = arith.constant 48 : index
        %get3A_424 = tpu.vector_load %arg5[%get3A_422, %get3A_423] {strides = array<i32>} : memref<125x80xi32, #tpu.memory_space<vmem>>, vector<1x16xi32>,
        %get3A_425 = vector.shape_cast %get3A_424 : vector<1x16xi32> to vector<16xi32>
        %shift_right_logical3A_426 = arith.constant 16 : i32
        %shift_right_logical3A_427 = vector.broadcast %shift_right_logical3A_426 : i32 to vector<16xi32>
        %shift_right_logical3A_428 = arith.shrui %get3A_425, %shift_right_logical3A_427 : vector<16xi32>
        %swap3A_429 = arith.constant 2 : i32
        %swap3A_430 = arith.index_cast %swap3A_429 : i32 to index
        %swap3A_431 = arith.constant 48 : index
        %swap3A_432 = tpu.vector_load %arg6[%swap3A_430, %swap3A_431] {strides = array<i32>} : memref<3x80xi32, #tpu.memory_space<vmem>>, vector<1x16xi32>,
        %swap3A_433 = vector.shape_cast %swap3A_432 : vector<1x16xi32> to vector<16xi32>
        %swap3A_434 = vector.shape_cast %shift_right_logical3A_428 : vector<16xi32> to vector<1x16xi32>
        tpu.vector_store %arg6[%swap3A_430, %swap3A_431], %swap3A_434 {strides = array<i32>} : memref<3x80xi32, #tpu.memory_space<vmem>>, vector<1x16xi32>,
        %and3A_435 = arith.constant 65535 : i32
        %and3A_436 = vector.broadcast %and3A_435 : i32 to vector<16xi32>
        %and3A_437 = arith.andi %get3A_425, %and3A_436 : vector<16xi32>
        %swap3A_438 = arith.constant 2 : i32
        %swap3A_439 = arith.index_cast %swap3A_438 : i32 to index
        %swap3A_440 = arith.constant 48 : index
        %swap3A_441 = tpu.vector_load %arg7[%swap3A_439, %swap3A_440] {strides = array<i32>} : memref<3x80xi32, #tpu.memory_space<vmem>>, vector<1x16xi32>,
        %swap3A_442 = vector.shape_cast %swap3A_441 : vector<1x16xi32> to vector<16xi32>
        %swap3A_443 = vector.shape_cast %and3A_437 : vector<16xi32> to vector<1x16xi32>
        tpu.vector_store %arg7[%swap3A_439, %swap3A_440], %swap3A_443 {strides = array<i32>} : memref<3x80xi32, #tpu.memory_space<vmem>>, vector<1x16xi32>,
        %get3A_444 = arith.index_cast %add3A_355 : i32 to index
        %get3A_445 = arith.constant 64 : index
        %get3A_446 = tpu.vector_load %arg5[%get3A_444, %get3A_445] {strides = array<i32>} : memref<125x80xi32, #tpu.memory_space<vmem>>, vector<1x16xi32>,
        %get3A_447 = vector.shape_cast %get3A_446 : vector<1x16xi32> to vector<16xi32>
        %shift_right_logical3A_448 = arith.constant 16 : i32
        %shift_right_logical3A_449 = vector.broadcast %shift_right_logical3A_448 : i32 to vector<16xi32>
        %shift_right_logical3A_450 = arith.shrui %get3A_447, %shift_right_logical3A_449 : vector<16xi32>
        %swap3A_451 = arith.constant 2 : i32
        %swap3A_452 = arith.index_cast %swap3A_451 : i32 to index
        %swap3A_453 = arith.constant 64 : index
        %swap3A_454 = tpu.vector_load %arg6[%swap3A_452, %swap3A_453] {strides = array<i32>} : memref<3x80xi32, #tpu.memory_space<vmem>>, vector<1x16xi32>,
        %swap3A_455 = vector.shape_cast %swap3A_454 : vector<1x16xi32> to vector<16xi32>
        %swap3A_456 = vector.shape_cast %shift_right_logical3A_450 : vector<16xi32> to vector<1x16xi32>
        tpu.vector_store %arg6[%swap3A_452, %swap3A_453], %swap3A_456 {strides = array<i32>} : memref<3x80xi32, #tpu.memory_space<vmem>>, vector<1x16xi32>,
        %and3A_457 = arith.constant 65535 : i32
        %and3A_458 = vector.broadcast %and3A_457 : i32 to vector<16xi32>
        %and3A_459 = arith.andi %get3A_447, %and3A_458 : vector<16xi32>
        %swap3A_460 = arith.constant 2 : i32
        %swap3A_461 = arith.index_cast %swap3A_460 : i32 to index
        %swap3A_462 = arith.constant 64 : index
        %swap3A_463 = tpu.vector_load %arg7[%swap3A_461, %swap3A_462] {strides = array<i32>} : memref<3x80xi32, #tpu.memory_space<vmem>>, vector<1x16xi32>,
        %swap3A_464 = vector.shape_cast %swap3A_463 : vector<1x16xi32> to vector<16xi32>
        %swap3A_465 = vector.shape_cast %and3A_459 : vector<16xi32> to vector<1x16xi32>
        tpu.vector_store %arg7[%swap3A_461, %swap3A_462], %swap3A_465 {strides = array<i32>} : memref<3x80xi32, #tpu.memory_space<vmem>>, vector<1x16xi32>,
        %dma_start3A_466 = arith.constant 2 : i32
        %dma_start3A_467 = arith.constant 0 : i32
        %dma_start3A_468 = tpu.memref_slice %arg6[%dma_start3A_466, %dma_start3A_467] : memref<3x80xi32, #tpu.memory_space<vmem>> -> memref<1x80xi32, #tpu.memory_space<vmem>>
        %dma_start3A_469 = tpu.memref_squeeze %dma_start3A_468 : memref<1x80xi32, #tpu.memory_space<vmem>> -> memref<80xi32, #tpu.memory_space<vmem>>
        %dma_start3A_470 = arith.constant 0 : i32
        %dma_start3A_471 = arith.constant 0 : i32
        %dma_start3A_472 = tpu.memref_slice %arg2[%dma_start3A_470, %dma_start3A_471] : memref<10000x128xf32, #tpu.memory_space<hbm>> -> memref<10000x128xf32, #tpu.memory_space<hbm>>
        tpu.enqueue_indirect_dma source(%dma_start3A_472 : memref<10000x128xf32, #tpu.memory_space<hbm>>) target(%arg10 : memref<80x128xf32, #tpu.memory_space<vmem>>) offsets(%dma_start3A_469 : memref<80xi32, #tpu.memory_space<vmem>>) semaphore(%arg15 : memref<!tpu.dma_semaphore, #tpu.memory_space<semaphore_mem>>)
      } else {
      }
      %mul3A_317 = arith.constant 3 : i32
      %mul3A_318 = arith.muli %mul3A_317, %scan3A_300 : i32
      %add3A_319 = arith.constant 1 : i32
      %add3A_320 = arith.addi %mul3A_318, %add3A_319 : i32
      %lt3A_321 = arith.constant 125 : i32
      %lt3A_322 = arith.cmpi slt, %add3A_320, %lt3A_321 : i32
      %convert_element_type3A_323 = arith.extui %lt3A_322 : i1 to i32
      %cond3A_324 = arith.constant 0 : i32
      %cond3A_325 = arith.cmpi ne, %convert_element_type3A_323, %cond3A_324 : i32
      scf.if %cond3A_325 {
        %dma_wait3A_350 = arith.constant 0 : i32
        %dma_wait3A_351 = arith.constant 0 : i32
        %dma_wait3A_352 = tpu.memref_slice %arg2[%dma_wait3A_350, %dma_wait3A_351] : memref<10000x128xf32, #tpu.memory_space<hbm>> -> memref<80x128xf32, #tpu.memory_space<hbm>>
        %dma_wait3A_353 = arith.constant 0 : i32
        %dma_wait3A_354 = arith.constant 0 : i32
        %dma_wait3A_355 = tpu.memref_slice %arg2[%dma_wait3A_353, %dma_wait3A_354] : memref<10000x128xf32, #tpu.memory_space<hbm>> -> memref<80x128xf32, #tpu.memory_space<hbm>>
        tpu.wait_dma2 semaphore(%arg14 : memref<!tpu.dma_semaphore, #tpu.memory_space<semaphore_mem>>) src(%dma_wait3A_355 : memref<80x128xf32, #tpu.memory_space<hbm>>) dst(%arg9 : memref<80x128xf32, #tpu.memory_space<vmem>>)
        %dma_start3A_356 = arith.constant 1 : i32
        %dma_start3A_357 = arith.constant 0 : i32
        %dma_start3A_358 = tpu.memref_slice %arg7[%dma_start3A_356, %dma_start3A_357] : memref<3x80xi32, #tpu.memory_space<vmem>> -> memref<1x80xi32, #tpu.memory_space<vmem>>
        %dma_start3A_359 = tpu.memref_squeeze %dma_start3A_358 : memref<1x80xi32, #tpu.memory_space<vmem>> -> memref<80xi32, #tpu.memory_space<vmem>>
        %dma_start3A_360 = arith.constant 0 : i32
        %dma_start3A_361 = arith.constant 0 : i32
        %dma_start3A_362 = tpu.memref_slice %arg12[%dma_start3A_360, %dma_start3A_361] : memref<10240x128xf32, #tpu.memory_space<vmem_shared>> -> memref<10240x128xf32, #tpu.memory_space<vmem_shared>>
        tpu.enqueue_indirect_dma source(%arg9 : memref<80x128xf32, #tpu.memory_space<vmem>>) target(%dma_start3A_362 : memref<10240x128xf32, #tpu.memory_space<vmem_shared>>) offsets(%dma_start3A_359 : memref<80xi32, #tpu.memory_space<vmem>>) semaphore(%arg17 : memref<!tpu.dma_semaphore, #tpu.memory_space<semaphore_mem>>) {add = true}
      } else {
      }
      %add3A_326 = arith.constant 2 : i32
      %add3A_327 = arith.addi %add3A_320, %add3A_326 : i32
      %lt3A_328 = arith.constant 125 : i32
      %lt3A_329 = arith.cmpi slt, %add3A_327, %lt3A_328 : i32
      %convert_element_type3A_330 = arith.extui %lt3A_329 : i1 to i32
      %cond3A_331 = arith.constant 0 : i32
      %cond3A_332 = arith.cmpi ne, %convert_element_type3A_330, %cond3A_331 : i32
      scf.if %cond3A_332 {
        %ge3A = arith.constant 1 : i32
        %ge3A_350 = arith.cmpi sge, %add3A_320, %ge3A : i32
        %convert_element_type3A_351 = arith.extui %ge3A_350 : i1 to i32
        %cond3A_352 = arith.constant 0 : i32
        %cond3A_353 = arith.cmpi ne, %convert_element_type3A_351, %cond3A_352 : i32
        scf.if %cond3A_353 {
          %dma_wait3A_473 = arith.constant 0 : i32
          %dma_wait3A_474 = arith.constant 0 : i32
          %dma_wait3A_475 = tpu.memref_slice %arg12[%dma_wait3A_473, %dma_wait3A_474] : memref<10240x128xf32, #tpu.memory_space<vmem_shared>> -> memref<80x128xf32, #tpu.memory_space<vmem_shared>>
          %dma_wait3A_476 = arith.constant 0 : i32
          %dma_wait3A_477 = arith.constant 0 : i32
          %dma_wait3A_478 = tpu.memref_slice %arg12[%dma_wait3A_476, %dma_wait3A_477] : memref<10240x128xf32, #tpu.memory_space<vmem_shared>> -> memref<80x128xf32, #tpu.memory_space<vmem_shared>>
          tpu.wait_dma2 semaphore(%arg16 : memref<!tpu.dma_semaphore, #tpu.memory_space<semaphore_mem>>) src(%arg8 : memref<80x128xf32, #tpu.memory_space<vmem>>) dst(%dma_wait3A_478 : memref<80x128xf32, #tpu.memory_space<vmem_shared>>)
        } else {
        }
        %add3A_354 = arith.constant 2 : i32
        %add3A_355 = arith.addi %add3A_320, %add3A_354 : i32
        %get3A_356 = arith.index_cast %add3A_355 : i32 to index
        %get3A_357 = arith.constant 0 : index
        %get3A_358 = tpu.vector_load %arg5[%get3A_356, %get3A_357] {strides = array<i32>} : memref<125x80xi32, #tpu.memory_space<vmem>>, vector<1x16xi32>,
        %get3A_359 = vector.shape_cast %get3A_358 : vector<1x16xi32> to vector<16xi32>
        %shift_right_logical3A_360 = arith.constant 16 : i32
        %shift_right_logical3A_361 = vector.broadcast %shift_right_logical3A_360 : i32 to vector<16xi32>
        %shift_right_logical3A_362 = arith.shrui %get3A_359, %shift_right_logical3A_361 : vector<16xi32>
        %swap3A_363 = arith.constant 0 : i32
        %swap3A_364 = arith.index_cast %swap3A_363 : i32 to index
        %swap3A_365 = arith.constant 0 : index
        %swap3A_366 = tpu.vector_load %arg6[%swap3A_364, %swap3A_365] {strides = array<i32>} : memref<3x80xi32, #tpu.memory_space<vmem>>, vector<1x16xi32>,
        %swap3A_367 = vector.shape_cast %swap3A_366 : vector<1x16xi32> to vector<16xi32>
        %swap3A_368 = vector.shape_cast %shift_right_logical3A_362 : vector<16xi32> to vector<1x16xi32>
        tpu.vector_store %arg6[%swap3A_364, %swap3A_365], %swap3A_368 {strides = array<i32>} : memref<3x80xi32, #tpu.memory_space<vmem>>, vector<1x16xi32>,
        %and3A_369 = arith.constant 65535 : i32
        %and3A_370 = vector.broadcast %and3A_369 : i32 to vector<16xi32>
        %and3A_371 = arith.andi %get3A_359, %and3A_370 : vector<16xi32>
        %swap3A_372 = arith.constant 0 : i32
        %swap3A_373 = arith.index_cast %swap3A_372 : i32 to index
        %swap3A_374 = arith.constant 0 : index
        %swap3A_375 = tpu.vector_load %arg7[%swap3A_373, %swap3A_374] {strides = array<i32>} : memref<3x80xi32, #tpu.memory_space<vmem>>, vector<1x16xi32>,
        %swap3A_376 = vector.shape_cast %swap3A_375 : vector<1x16xi32> to vector<16xi32>
        %swap3A_377 = vector.shape_cast %and3A_371 : vector<16xi32> to vector<1x16xi32>
        tpu.vector_store %arg7[%swap3A_373, %swap3A_374], %swap3A_377 {strides = array<i32>} : memref<3x80xi32, #tpu.memory_space<vmem>>, vector<1x16xi32>,
        %get3A_378 = arith.index_cast %add3A_355 : i32 to index
        %get3A_379 = arith.constant 16 : index
        %get3A_380 = tpu.vector_load %arg5[%get3A_378, %get3A_379] {strides = array<i32>} : memref<125x80xi32, #tpu.memory_space<vmem>>, vector<1x16xi32>,
        %get3A_381 = vector.shape_cast %get3A_380 : vector<1x16xi32> to vector<16xi32>
        %shift_right_logical3A_382 = arith.constant 16 : i32
        %shift_right_logical3A_383 = vector.broadcast %shift_right_logical3A_382 : i32 to vector<16xi32>
        %shift_right_logical3A_384 = arith.shrui %get3A_381, %shift_right_logical3A_383 : vector<16xi32>
        %swap3A_385 = arith.constant 0 : i32
        %swap3A_386 = arith.index_cast %swap3A_385 : i32 to index
        %swap3A_387 = arith.constant 16 : index
        %swap3A_388 = tpu.vector_load %arg6[%swap3A_386, %swap3A_387] {strides = array<i32>} : memref<3x80xi32, #tpu.memory_space<vmem>>, vector<1x16xi32>,
        %swap3A_389 = vector.shape_cast %swap3A_388 : vector<1x16xi32> to vector<16xi32>
        %swap3A_390 = vector.shape_cast %shift_right_logical3A_384 : vector<16xi32> to vector<1x16xi32>
        tpu.vector_store %arg6[%swap3A_386, %swap3A_387], %swap3A_390 {strides = array<i32>} : memref<3x80xi32, #tpu.memory_space<vmem>>, vector<1x16xi32>,
        %and3A_391 = arith.constant 65535 : i32
        %and3A_392 = vector.broadcast %and3A_391 : i32 to vector<16xi32>
        %and3A_393 = arith.andi %get3A_381, %and3A_392 : vector<16xi32>
        %swap3A_394 = arith.constant 0 : i32
        %swap3A_395 = arith.index_cast %swap3A_394 : i32 to index
        %swap3A_396 = arith.constant 16 : index
        %swap3A_397 = tpu.vector_load %arg7[%swap3A_395, %swap3A_396] {strides = array<i32>} : memref<3x80xi32, #tpu.memory_space<vmem>>, vector<1x16xi32>,
        %swap3A_398 = vector.shape_cast %swap3A_397 : vector<1x16xi32> to vector<16xi32>
        %swap3A_399 = vector.shape_cast %and3A_393 : vector<16xi32> to vector<1x16xi32>
        tpu.vector_store %arg7[%swap3A_395, %swap3A_396], %swap3A_399 {strides = array<i32>} : memref<3x80xi32, #tpu.memory_space<vmem>>, vector<1x16xi32>,
        %get3A_400 = arith.index_cast %add3A_355 : i32 to index
        %get3A_401 = arith.constant 32 : index
        %get3A_402 = tpu.vector_load %arg5[%get3A_400, %get3A_401] {strides = array<i32>} : memref<125x80xi32, #tpu.memory_space<vmem>>, vector<1x16xi32>,
        %get3A_403 = vector.shape_cast %get3A_402 : vector<1x16xi32> to vector<16xi32>
        %shift_right_logical3A_404 = arith.constant 16 : i32
        %shift_right_logical3A_405 = vector.broadcast %shift_right_logical3A_404 : i32 to vector<16xi32>
        %shift_right_logical3A_406 = arith.shrui %get3A_403, %shift_right_logical3A_405 : vector<16xi32>
        %swap3A_407 = arith.constant 0 : i32
        %swap3A_408 = arith.index_cast %swap3A_407 : i32 to index
        %swap3A_409 = arith.constant 32 : index
        %swap3A_410 = tpu.vector_load %arg6[%swap3A_408, %swap3A_409] {strides = array<i32>} : memref<3x80xi32, #tpu.memory_space<vmem>>, vector<1x16xi32>,
        %swap3A_411 = vector.shape_cast %swap3A_410 : vector<1x16xi32> to vector<16xi32>
        %swap3A_412 = vector.shape_cast %shift_right_logical3A_406 : vector<16xi32> to vector<1x16xi32>
        tpu.vector_store %arg6[%swap3A_408, %swap3A_409], %swap3A_412 {strides = array<i32>} : memref<3x80xi32, #tpu.memory_space<vmem>>, vector<1x16xi32>,
        %and3A_413 = arith.constant 65535 : i32
        %and3A_414 = vector.broadcast %and3A_413 : i32 to vector<16xi32>
        %and3A_415 = arith.andi %get3A_403, %and3A_414 : vector<16xi32>
        %swap3A_416 = arith.constant 0 : i32
        %swap3A_417 = arith.index_cast %swap3A_416 : i32 to index
        %swap3A_418 = arith.constant 32 : index
        %swap3A_419 = tpu.vector_load %arg7[%swap3A_417, %swap3A_418] {strides = array<i32>} : memref<3x80xi32, #tpu.memory_space<vmem>>, vector<1x16xi32>,
        %swap3A_420 = vector.shape_cast %swap3A_419 : vector<1x16xi32> to vector<16xi32>
        %swap3A_421 = vector.shape_cast %and3A_415 : vector<16xi32> to vector<1x16xi32>
        tpu.vector_store %arg7[%swap3A_417, %swap3A_418], %swap3A_421 {strides = array<i32>} : memref<3x80xi32, #tpu.memory_space<vmem>>, vector<1x16xi32>,
        %get3A_422 = arith.index_cast %add3A_355 : i32 to index
        %get3A_423 = arith.constant 48 : index
        %get3A_424 = tpu.vector_load %arg5[%get3A_422, %get3A_423] {strides = array<i32>} : memref<125x80xi32, #tpu.memory_space<vmem>>, vector<1x16xi32>,
        %get3A_425 = vector.shape_cast %get3A_424 : vector<1x16xi32> to vector<16xi32>
        %shift_right_logical3A_426 = arith.constant 16 : i32
        %shift_right_logical3A_427 = vector.broadcast %shift_right_logical3A_426 : i32 to vector<16xi32>
        %shift_right_logical3A_428 = arith.shrui %get3A_425, %shift_right_logical3A_427 : vector<16xi32>
        %swap3A_429 = arith.constant 0 : i32
        %swap3A_430 = arith.index_cast %swap3A_429 : i32 to index
        %swap3A_431 = arith.constant 48 : index
        %swap3A_432 = tpu.vector_load %arg6[%swap3A_430, %swap3A_431] {strides = array<i32>} : memref<3x80xi32, #tpu.memory_space<vmem>>, vector<1x16xi32>,
        %swap3A_433 = vector.shape_cast %swap3A_432 : vector<1x16xi32> to vector<16xi32>
        %swap3A_434 = vector.shape_cast %shift_right_logical3A_428 : vector<16xi32> to vector<1x16xi32>
        tpu.vector_store %arg6[%swap3A_430, %swap3A_431], %swap3A_434 {strides = array<i32>} : memref<3x80xi32, #tpu.memory_space<vmem>>, vector<1x16xi32>,
        %and3A_435 = arith.constant 65535 : i32
        %and3A_436 = vector.broadcast %and3A_435 : i32 to vector<16xi32>
        %and3A_437 = arith.andi %get3A_425, %and3A_436 : vector<16xi32>
        %swap3A_438 = arith.constant 0 : i32
        %swap3A_439 = arith.index_cast %swap3A_438 : i32 to index
        %swap3A_440 = arith.constant 48 : index
        %swap3A_441 = tpu.vector_load %arg7[%swap3A_439, %swap3A_440] {strides = array<i32>} : memref<3x80xi32, #tpu.memory_space<vmem>>, vector<1x16xi32>,
        %swap3A_442 = vector.shape_cast %swap3A_441 : vector<1x16xi32> to vector<16xi32>
        %swap3A_443 = vector.shape_cast %and3A_437 : vector<16xi32> to vector<1x16xi32>
        tpu.vector_store %arg7[%swap3A_439, %swap3A_440], %swap3A_443 {strides = array<i32>} : memref<3x80xi32, #tpu.memory_space<vmem>>, vector<1x16xi32>,
        %get3A_444 = arith.index_cast %add3A_355 : i32 to index
        %get3A_445 = arith.constant 64 : index
        %get3A_446 = tpu.vector_load %arg5[%get3A_444, %get3A_445] {strides = array<i32>} : memref<125x80xi32, #tpu.memory_space<vmem>>, vector<1x16xi32>,
        %get3A_447 = vector.shape_cast %get3A_446 : vector<1x16xi32> to vector<16xi32>
        %shift_right_logical3A_448 = arith.constant 16 : i32
        %shift_right_logical3A_449 = vector.broadcast %shift_right_logical3A_448 : i32 to vector<16xi32>
        %shift_right_logical3A_450 = arith.shrui %get3A_447, %shift_right_logical3A_449 : vector<16xi32>
        %swap3A_451 = arith.constant 0 : i32
        %swap3A_452 = arith.index_cast %swap3A_451 : i32 to index
        %swap3A_453 = arith.constant 64 : index
        %swap3A_454 = tpu.vector_load %arg6[%swap3A_452, %swap3A_453] {strides = array<i32>} : memref<3x80xi32, #tpu.memory_space<vmem>>, vector<1x16xi32>,
        %swap3A_455 = vector.shape_cast %swap3A_454 : vector<1x16xi32> to vector<16xi32>
        %swap3A_456 = vector.shape_cast %shift_right_logical3A_450 : vector<16xi32> to vector<1x16xi32>
        tpu.vector_store %arg6[%swap3A_452, %swap3A_453], %swap3A_456 {strides = array<i32>} : memref<3x80xi32, #tpu.memory_space<vmem>>, vector<1x16xi32>,
        %and3A_457 = arith.constant 65535 : i32
        %and3A_458 = vector.broadcast %and3A_457 : i32 to vector<16xi32>
        %and3A_459 = arith.andi %get3A_447, %and3A_458 : vector<16xi32>
        %swap3A_460 = arith.constant 0 : i32
        %swap3A_461 = arith.index_cast %swap3A_460 : i32 to index
        %swap3A_462 = arith.constant 64 : index
        %swap3A_463 = tpu.vector_load %arg7[%swap3A_461, %swap3A_462] {strides = array<i32>} : memref<3x80xi32, #tpu.memory_space<vmem>>, vector<1x16xi32>,
        %swap3A_464 = vector.shape_cast %swap3A_463 : vector<1x16xi32> to vector<16xi32>
        %swap3A_465 = vector.shape_cast %and3A_459 : vector<16xi32> to vector<1x16xi32>
        tpu.vector_store %arg7[%swap3A_461, %swap3A_462], %swap3A_465 {strides = array<i32>} : memref<3x80xi32, #tpu.memory_space<vmem>>, vector<1x16xi32>,
        %dma_start3A_466 = arith.constant 0 : i32
        %dma_start3A_467 = arith.constant 0 : i32
        %dma_start3A_468 = tpu.memref_slice %arg6[%dma_start3A_466, %dma_start3A_467] : memref<3x80xi32, #tpu.memory_space<vmem>> -> memref<1x80xi32, #tpu.memory_space<vmem>>
        %dma_start3A_469 = tpu.memref_squeeze %dma_start3A_468 : memref<1x80xi32, #tpu.memory_space<vmem>> -> memref<80xi32, #tpu.memory_space<vmem>>
        %dma_start3A_470 = arith.constant 0 : i32
        %dma_start3A_471 = arith.constant 0 : i32
        %dma_start3A_472 = tpu.memref_slice %arg2[%dma_start3A_470, %dma_start3A_471] : memref<10000x128xf32, #tpu.memory_space<hbm>> -> memref<10000x128xf32, #tpu.memory_space<hbm>>
        tpu.enqueue_indirect_dma source(%dma_start3A_472 : memref<10000x128xf32, #tpu.memory_space<hbm>>) target(%arg8 : memref<80x128xf32, #tpu.memory_space<vmem>>) offsets(%dma_start3A_469 : memref<80xi32, #tpu.memory_space<vmem>>) semaphore(%arg13 : memref<!tpu.dma_semaphore, #tpu.memory_space<semaphore_mem>>)
      } else {
      }
      %mul3A_333 = arith.constant 3 : i32
      %mul3A_334 = arith.muli %mul3A_333, %scan3A_300 : i32
      %add3A_335 = arith.constant 2 : i32
      %add3A_336 = arith.addi %mul3A_334, %add3A_335 : i32
      %lt3A_337 = arith.constant 125 : i32
      %lt3A_338 = arith.cmpi slt, %add3A_336, %lt3A_337 : i32
      %convert_element_type3A_339 = arith.extui %lt3A_338 : i1 to i32
      %cond3A_340 = arith.constant 0 : i32
      %cond3A_341 = arith.cmpi ne, %convert_element_type3A_339, %cond3A_340 : i32
      scf.if %cond3A_341 {
        %dma_wait3A_350 = arith.constant 0 : i32
        %dma_wait3A_351 = arith.constant 0 : i32
        %dma_wait3A_352 = tpu.memref_slice %arg2[%dma_wait3A_350, %dma_wait3A_351] : memref<10000x128xf32, #tpu.memory_space<hbm>> -> memref<80x128xf32, #tpu.memory_space<hbm>>
        %dma_wait3A_353 = arith.constant 0 : i32
        %dma_wait3A_354 = arith.constant 0 : i32
        %dma_wait3A_355 = tpu.memref_slice %arg2[%dma_wait3A_353, %dma_wait3A_354] : memref<10000x128xf32, #tpu.memory_space<hbm>> -> memref<80x128xf32, #tpu.memory_space<hbm>>
        tpu.wait_dma2 semaphore(%arg15 : memref<!tpu.dma_semaphore, #tpu.memory_space<semaphore_mem>>) src(%dma_wait3A_355 : memref<80x128xf32, #tpu.memory_space<hbm>>) dst(%arg10 : memref<80x128xf32, #tpu.memory_space<vmem>>)
        %dma_start3A_356 = arith.constant 2 : i32
        %dma_start3A_357 = arith.constant 0 : i32
        %dma_start3A_358 = tpu.memref_slice %arg7[%dma_start3A_356, %dma_start3A_357] : memref<3x80xi32, #tpu.memory_space<vmem>> -> memref<1x80xi32, #tpu.memory_space<vmem>>
        %dma_start3A_359 = tpu.memref_squeeze %dma_start3A_358 : memref<1x80xi32, #tpu.memory_space<vmem>> -> memref<80xi32, #tpu.memory_space<vmem>>
        %dma_start3A_360 = arith.constant 0 : i32
        %dma_start3A_361 = arith.constant 0 : i32
        %dma_start3A_362 = tpu.memref_slice %arg12[%dma_start3A_360, %dma_start3A_361] : memref<10240x128xf32, #tpu.memory_space<vmem_shared>> -> memref<10240x128xf32, #tpu.memory_space<vmem_shared>>
        tpu.enqueue_indirect_dma source(%arg10 : memref<80x128xf32, #tpu.memory_space<vmem>>) target(%dma_start3A_362 : memref<10240x128xf32, #tpu.memory_space<vmem_shared>>) offsets(%dma_start3A_359 : memref<80xi32, #tpu.memory_space<vmem>>) semaphore(%arg18 : memref<!tpu.dma_semaphore, #tpu.memory_space<semaphore_mem>>) {add = true}
      } else {
      }
      %add3A_342 = arith.constant 2 : i32
      %add3A_343 = arith.addi %add3A_336, %add3A_342 : i32
      %lt3A_344 = arith.constant 125 : i32
      %lt3A_345 = arith.cmpi slt, %add3A_343, %lt3A_344 : i32
      %convert_element_type3A_346 = arith.extui %lt3A_345 : i1 to i32
      %cond3A_347 = arith.constant 0 : i32
      %cond3A_348 = arith.cmpi ne, %convert_element_type3A_346, %cond3A_347 : i32
      scf.if %cond3A_348 {
        %ge3A = arith.constant 1 : i32
        %ge3A_350 = arith.cmpi sge, %add3A_336, %ge3A : i32
        %convert_element_type3A_351 = arith.extui %ge3A_350 : i1 to i32
        %cond3A_352 = arith.constant 0 : i32
        %cond3A_353 = arith.cmpi ne, %convert_element_type3A_351, %cond3A_352 : i32
        scf.if %cond3A_353 {
          %dma_wait3A_473 = arith.constant 0 : i32
          %dma_wait3A_474 = arith.constant 0 : i32
          %dma_wait3A_475 = tpu.memref_slice %arg12[%dma_wait3A_473, %dma_wait3A_474] : memref<10240x128xf32, #tpu.memory_space<vmem_shared>> -> memref<80x128xf32, #tpu.memory_space<vmem_shared>>
          %dma_wait3A_476 = arith.constant 0 : i32
          %dma_wait3A_477 = arith.constant 0 : i32
          %dma_wait3A_478 = tpu.memref_slice %arg12[%dma_wait3A_476, %dma_wait3A_477] : memref<10240x128xf32, #tpu.memory_space<vmem_shared>> -> memref<80x128xf32, #tpu.memory_space<vmem_shared>>
          tpu.wait_dma2 semaphore(%arg17 : memref<!tpu.dma_semaphore, #tpu.memory_space<semaphore_mem>>) src(%arg9 : memref<80x128xf32, #tpu.memory_space<vmem>>) dst(%dma_wait3A_478 : memref<80x128xf32, #tpu.memory_space<vmem_shared>>)
        } else {
        }
        %add3A_354 = arith.constant 2 : i32
        %add3A_355 = arith.addi %add3A_336, %add3A_354 : i32
        %get3A_356 = arith.index_cast %add3A_355 : i32 to index
        %get3A_357 = arith.constant 0 : index
        %get3A_358 = tpu.vector_load %arg5[%get3A_356, %get3A_357] {strides = array<i32>} : memref<125x80xi32, #tpu.memory_space<vmem>>, vector<1x16xi32>,
        %get3A_359 = vector.shape_cast %get3A_358 : vector<1x16xi32> to vector<16xi32>
        %shift_right_logical3A_360 = arith.constant 16 : i32
        %shift_right_logical3A_361 = vector.broadcast %shift_right_logical3A_360 : i32 to vector<16xi32>
        %shift_right_logical3A_362 = arith.shrui %get3A_359, %shift_right_logical3A_361 : vector<16xi32>
        %swap3A_363 = arith.constant 1 : i32
        %swap3A_364 = arith.index_cast %swap3A_363 : i32 to index
        %swap3A_365 = arith.constant 0 : index
        %swap3A_366 = tpu.vector_load %arg6[%swap3A_364, %swap3A_365] {strides = array<i32>} : memref<3x80xi32, #tpu.memory_space<vmem>>, vector<1x16xi32>,
        %swap3A_367 = vector.shape_cast %swap3A_366 : vector<1x16xi32> to vector<16xi32>
        %swap3A_368 = vector.shape_cast %shift_right_logical3A_362 : vector<16xi32> to vector<1x16xi32>
        tpu.vector_store %arg6[%swap3A_364, %swap3A_365], %swap3A_368 {strides = array<i32>} : memref<3x80xi32, #tpu.memory_space<vmem>>, vector<1x16xi32>,
        %and3A_369 = arith.constant 65535 : i32
        %and3A_370 = vector.broadcast %and3A_369 : i32 to vector<16xi32>
        %and3A_371 = arith.andi %get3A_359, %and3A_370 : vector<16xi32>
        %swap3A_372 = arith.constant 1 : i32
        %swap3A_373 = arith.index_cast %swap3A_372 : i32 to index
        %swap3A_374 = arith.constant 0 : index
        %swap3A_375 = tpu.vector_load %arg7[%swap3A_373, %swap3A_374] {strides = array<i32>} : memref<3x80xi32, #tpu.memory_space<vmem>>, vector<1x16xi32>,
        %swap3A_376 = vector.shape_cast %swap3A_375 : vector<1x16xi32> to vector<16xi32>
        %swap3A_377 = vector.shape_cast %and3A_371 : vector<16xi32> to vector<1x16xi32>
        tpu.vector_store %arg7[%swap3A_373, %swap3A_374], %swap3A_377 {strides = array<i32>} : memref<3x80xi32, #tpu.memory_space<vmem>>, vector<1x16xi32>,
        %get3A_378 = arith.index_cast %add3A_355 : i32 to index
        %get3A_379 = arith.constant 16 : index
        %get3A_380 = tpu.vector_load %arg5[%get3A_378, %get3A_379] {strides = array<i32>} : memref<125x80xi32, #tpu.memory_space<vmem>>, vector<1x16xi32>,
        %get3A_381 = vector.shape_cast %get3A_380 : vector<1x16xi32> to vector<16xi32>
        %shift_right_logical3A_382 = arith.constant 16 : i32
        %shift_right_logical3A_383 = vector.broadcast %shift_right_logical3A_382 : i32 to vector<16xi32>
        %shift_right_logical3A_384 = arith.shrui %get3A_381, %shift_right_logical3A_383 : vector<16xi32>
        %swap3A_385 = arith.constant 1 : i32
        %swap3A_386 = arith.index_cast %swap3A_385 : i32 to index
        %swap3A_387 = arith.constant 16 : index
        %swap3A_388 = tpu.vector_load %arg6[%swap3A_386, %swap3A_387] {strides = array<i32>} : memref<3x80xi32, #tpu.memory_space<vmem>>, vector<1x16xi32>,
        %swap3A_389 = vector.shape_cast %swap3A_388 : vector<1x16xi32> to vector<16xi32>
        %swap3A_390 = vector.shape_cast %shift_right_logical3A_384 : vector<16xi32> to vector<1x16xi32>
        tpu.vector_store %arg6[%swap3A_386, %swap3A_387], %swap3A_390 {strides = array<i32>} : memref<3x80xi32, #tpu.memory_space<vmem>>, vector<1x16xi32>,
        %and3A_391 = arith.constant 65535 : i32
        %and3A_392 = vector.broadcast %and3A_391 : i32 to vector<16xi32>
        %and3A_393 = arith.andi %get3A_381, %and3A_392 : vector<16xi32>
        %swap3A_394 = arith.constant 1 : i32
        %swap3A_395 = arith.index_cast %swap3A_394 : i32 to index
        %swap3A_396 = arith.constant 16 : index
        %swap3A_397 = tpu.vector_load %arg7[%swap3A_395, %swap3A_396] {strides = array<i32>} : memref<3x80xi32, #tpu.memory_space<vmem>>, vector<1x16xi32>,
        %swap3A_398 = vector.shape_cast %swap3A_397 : vector<1x16xi32> to vector<16xi32>
        %swap3A_399 = vector.shape_cast %and3A_393 : vector<16xi32> to vector<1x16xi32>
        tpu.vector_store %arg7[%swap3A_395, %swap3A_396], %swap3A_399 {strides = array<i32>} : memref<3x80xi32, #tpu.memory_space<vmem>>, vector<1x16xi32>,
        %get3A_400 = arith.index_cast %add3A_355 : i32 to index
        %get3A_401 = arith.constant 32 : index
        %get3A_402 = tpu.vector_load %arg5[%get3A_400, %get3A_401] {strides = array<i32>} : memref<125x80xi32, #tpu.memory_space<vmem>>, vector<1x16xi32>,
        %get3A_403 = vector.shape_cast %get3A_402 : vector<1x16xi32> to vector<16xi32>
        %shift_right_logical3A_404 = arith.constant 16 : i32
        %shift_right_logical3A_405 = vector.broadcast %shift_right_logical3A_404 : i32 to vector<16xi32>
        %shift_right_logical3A_406 = arith.shrui %get3A_403, %shift_right_logical3A_405 : vector<16xi32>
        %swap3A_407 = arith.constant 1 : i32
        %swap3A_408 = arith.index_cast %swap3A_407 : i32 to index
        %swap3A_409 = arith.constant 32 : index
        %swap3A_410 = tpu.vector_load %arg6[%swap3A_408, %swap3A_409] {strides = array<i32>} : memref<3x80xi32, #tpu.memory_space<vmem>>, vector<1x16xi32>,
        %swap3A_411 = vector.shape_cast %swap3A_410 : vector<1x16xi32> to vector<16xi32>
        %swap3A_412 = vector.shape_cast %shift_right_logical3A_406 : vector<16xi32> to vector<1x16xi32>
        tpu.vector_store %arg6[%swap3A_408, %swap3A_409], %swap3A_412 {strides = array<i32>} : memref<3x80xi32, #tpu.memory_space<vmem>>, vector<1x16xi32>,
        %and3A_413 = arith.constant 65535 : i32
        %and3A_414 = vector.broadcast %and3A_413 : i32 to vector<16xi32>
        %and3A_415 = arith.andi %get3A_403, %and3A_414 : vector<16xi32>
        %swap3A_416 = arith.constant 1 : i32
        %swap3A_417 = arith.index_cast %swap3A_416 : i32 to index
        %swap3A_418 = arith.constant 32 : index
        %swap3A_419 = tpu.vector_load %arg7[%swap3A_417, %swap3A_418] {strides = array<i32>} : memref<3x80xi32, #tpu.memory_space<vmem>>, vector<1x16xi32>,
        %swap3A_420 = vector.shape_cast %swap3A_419 : vector<1x16xi32> to vector<16xi32>
        %swap3A_421 = vector.shape_cast %and3A_415 : vector<16xi32> to vector<1x16xi32>
        tpu.vector_store %arg7[%swap3A_417, %swap3A_418], %swap3A_421 {strides = array<i32>} : memref<3x80xi32, #tpu.memory_space<vmem>>, vector<1x16xi32>,
        %get3A_422 = arith.index_cast %add3A_355 : i32 to index
        %get3A_423 = arith.constant 48 : index
        %get3A_424 = tpu.vector_load %arg5[%get3A_422, %get3A_423] {strides = array<i32>} : memref<125x80xi32, #tpu.memory_space<vmem>>, vector<1x16xi32>,
        %get3A_425 = vector.shape_cast %get3A_424 : vector<1x16xi32> to vector<16xi32>
        %shift_right_logical3A_426 = arith.constant 16 : i32
        %shift_right_logical3A_427 = vector.broadcast %shift_right_logical3A_426 : i32 to vector<16xi32>
        %shift_right_logical3A_428 = arith.shrui %get3A_425, %shift_right_logical3A_427 : vector<16xi32>
        %swap3A_429 = arith.constant 1 : i32
        %swap3A_430 = arith.index_cast %swap3A_429 : i32 to index
        %swap3A_431 = arith.constant 48 : index
        %swap3A_432 = tpu.vector_load %arg6[%swap3A_430, %swap3A_431] {strides = array<i32>} : memref<3x80xi32, #tpu.memory_space<vmem>>, vector<1x16xi32>,
        %swap3A_433 = vector.shape_cast %swap3A_432 : vector<1x16xi32> to vector<16xi32>
        %swap3A_434 = vector.shape_cast %shift_right_logical3A_428 : vector<16xi32> to vector<1x16xi32>
        tpu.vector_store %arg6[%swap3A_430, %swap3A_431], %swap3A_434 {strides = array<i32>} : memref<3x80xi32, #tpu.memory_space<vmem>>, vector<1x16xi32>,
        %and3A_435 = arith.constant 65535 : i32
        %and3A_436 = vector.broadcast %and3A_435 : i32 to vector<16xi32>
        %and3A_437 = arith.andi %get3A_425, %and3A_436 : vector<16xi32>
        %swap3A_438 = arith.constant 1 : i32
        %swap3A_439 = arith.index_cast %swap3A_438 : i32 to index
        %swap3A_440 = arith.constant 48 : index
        %swap3A_441 = tpu.vector_load %arg7[%swap3A_439, %swap3A_440] {strides = array<i32>} : memref<3x80xi32, #tpu.memory_space<vmem>>, vector<1x16xi32>,
        %swap3A_442 = vector.shape_cast %swap3A_441 : vector<1x16xi32> to vector<16xi32>
        %swap3A_443 = vector.shape_cast %and3A_437 : vector<16xi32> to vector<1x16xi32>
        tpu.vector_store %arg7[%swap3A_439, %swap3A_440], %swap3A_443 {strides = array<i32>} : memref<3x80xi32, #tpu.memory_space<vmem>>, vector<1x16xi32>,
        %get3A_444 = arith.index_cast %add3A_355 : i32 to index
        %get3A_445 = arith.constant 64 : index
        %get3A_446 = tpu.vector_load %arg5[%get3A_444, %get3A_445] {strides = array<i32>} : memref<125x80xi32, #tpu.memory_space<vmem>>, vector<1x16xi32>,
        %get3A_447 = vector.shape_cast %get3A_446 : vector<1x16xi32> to vector<16xi32>
        %shift_right_logical3A_448 = arith.constant 16 : i32
        %shift_right_logical3A_449 = vector.broadcast %shift_right_logical3A_448 : i32 to vector<16xi32>
        %shift_right_logical3A_450 = arith.shrui %get3A_447, %shift_right_logical3A_449 : vector<16xi32>
        %swap3A_451 = arith.constant 1 : i32
        %swap3A_452 = arith.index_cast %swap3A_451 : i32 to index
        %swap3A_453 = arith.constant 64 : index
        %swap3A_454 = tpu.vector_load %arg6[%swap3A_452, %swap3A_453] {strides = array<i32>} : memref<3x80xi32, #tpu.memory_space<vmem>>, vector<1x16xi32>,
        %swap3A_455 = vector.shape_cast %swap3A_454 : vector<1x16xi32> to vector<16xi32>
        %swap3A_456 = vector.shape_cast %shift_right_logical3A_450 : vector<16xi32> to vector<1x16xi32>
        tpu.vector_store %arg6[%swap3A_452, %swap3A_453], %swap3A_456 {strides = array<i32>} : memref<3x80xi32, #tpu.memory_space<vmem>>, vector<1x16xi32>,
        %and3A_457 = arith.constant 65535 : i32
        %and3A_458 = vector.broadcast %and3A_457 : i32 to vector<16xi32>
        %and3A_459 = arith.andi %get3A_447, %and3A_458 : vector<16xi32>
        %swap3A_460 = arith.constant 1 : i32
        %swap3A_461 = arith.index_cast %swap3A_460 : i32 to index
        %swap3A_462 = arith.constant 64 : index
        %swap3A_463 = tpu.vector_load %arg7[%swap3A_461, %swap3A_462] {strides = array<i32>} : memref<3x80xi32, #tpu.memory_space<vmem>>, vector<1x16xi32>,
        %swap3A_464 = vector.shape_cast %swap3A_463 : vector<1x16xi32> to vector<16xi32>
        %swap3A_465 = vector.shape_cast %and3A_459 : vector<16xi32> to vector<1x16xi32>
        tpu.vector_store %arg7[%swap3A_461, %swap3A_462], %swap3A_465 {strides = array<i32>} : memref<3x80xi32, #tpu.memory_space<vmem>>, vector<1x16xi32>,
        %dma_start3A_466 = arith.constant 1 : i32
        %dma_start3A_467 = arith.constant 0 : i32
        %dma_start3A_468 = tpu.memref_slice %arg6[%dma_start3A_466, %dma_start3A_467] : memref<3x80xi32, #tpu.memory_space<vmem>> -> memref<1x80xi32, #tpu.memory_space<vmem>>
        %dma_start3A_469 = tpu.memref_squeeze %dma_start3A_468 : memref<1x80xi32, #tpu.memory_space<vmem>> -> memref<80xi32, #tpu.memory_space<vmem>>
        %dma_start3A_470 = arith.constant 0 : i32
        %dma_start3A_471 = arith.constant 0 : i32
        %dma_start3A_472 = tpu.memref_slice %arg2[%dma_start3A_470, %dma_start3A_471] : memref<10000x128xf32, #tpu.memory_space<hbm>> -> memref<10000x128xf32, #tpu.memory_space<hbm>>
        tpu.enqueue_indirect_dma source(%dma_start3A_472 : memref<10000x128xf32, #tpu.memory_space<hbm>>) target(%arg9 : memref<80x128xf32, #tpu.memory_space<vmem>>) offsets(%dma_start3A_469 : memref<80xi32, #tpu.memory_space<vmem>>) semaphore(%arg14 : memref<!tpu.dma_semaphore, #tpu.memory_space<semaphore_mem>>)
      } else {
      }
      %scan3A_349 = arith.constant 0 : i32
      scf.yield %scan3A_349 : i32
    }
    %scan3A_270 = arith.constant 42 : i32
    %dma_wait3A_271 = arith.constant 0 : i32
    %dma_wait3A_272 = arith.constant 0 : i32
    %dma_wait3A_273 = tpu.memref_slice %arg12[%dma_wait3A_271, %dma_wait3A_272] : memref<10240x128xf32, #tpu.memory_space<vmem_shared>> -> memref<80x128xf32, #tpu.memory_space<vmem_shared>>
    %dma_wait3A_274 = arith.constant 0 : i32
    %dma_wait3A_275 = arith.constant 0 : i32
    %dma_wait3A_276 = tpu.memref_slice %arg12[%dma_wait3A_274, %dma_wait3A_275] : memref<10240x128xf32, #tpu.memory_space<vmem_shared>> -> memref<80x128xf32, #tpu.memory_space<vmem_shared>>
    tpu.wait_dma2 semaphore(%arg18 : memref<!tpu.dma_semaphore, #tpu.memory_space<semaphore_mem>>) src(%arg10 : memref<80x128xf32, #tpu.memory_space<vmem>>) dst(%dma_wait3A_276 : memref<80x128xf32, #tpu.memory_space<vmem_shared>>)
    %dma_wait3A_277 = arith.constant 0 : i32
    %dma_wait3A_278 = arith.constant 0 : i32
    %dma_wait3A_279 = tpu.memref_slice %arg12[%dma_wait3A_277, %dma_wait3A_278] : memref<10240x128xf32, #tpu.memory_space<vmem_shared>> -> memref<80x128xf32, #tpu.memory_space<vmem_shared>>
    %dma_wait3A_280 = arith.constant 0 : i32
    %dma_wait3A_281 = arith.constant 0 : i32
    %dma_wait3A_282 = tpu.memref_slice %arg12[%dma_wait3A_280, %dma_wait3A_281] : memref<10240x128xf32, #tpu.memory_space<vmem_shared>> -> memref<80x128xf32, #tpu.memory_space<vmem_shared>>
    tpu.wait_dma2 semaphore(%arg16 : memref<!tpu.dma_semaphore, #tpu.memory_space<semaphore_mem>>) src(%arg8 : memref<80x128xf32, #tpu.memory_space<vmem>>) dst(%dma_wait3A_282 : memref<80x128xf32, #tpu.memory_space<vmem_shared>>)
    %dma_wait3A_283 = arith.constant 0 : i32
    %dma_wait3A_284 = arith.constant 0 : i32
    %dma_wait3A_285 = tpu.memref_slice %arg12[%dma_wait3A_283, %dma_wait3A_284] : memref<10240x128xf32, #tpu.memory_space<vmem_shared>> -> memref<80x128xf32, #tpu.memory_space<vmem_shared>>
    %dma_wait3A_286 = arith.constant 0 : i32
    %dma_wait3A_287 = arith.constant 0 : i32
    %dma_wait3A_288 = tpu.memref_slice %arg12[%dma_wait3A_286, %dma_wait3A_287] : memref<10240x128xf32, #tpu.memory_space<vmem_shared>> -> memref<80x128xf32, #tpu.memory_space<vmem_shared>>
    tpu.wait_dma2 semaphore(%arg17 : memref<!tpu.dma_semaphore, #tpu.memory_space<semaphore_mem>>) src(%arg9 : memref<80x128xf32, #tpu.memory_space<vmem>>) dst(%dma_wait3A_288 : memref<80x128xf32, #tpu.memory_space<vmem_shared>>)
    %barrier3A_289 = arith.constant 0 : index
    tpu.barrier barrier_id(%barrier3A_289)
    %eq3A_290 = arith.constant 0 : i32
    %eq3A_291 = arith.cmpi eq, %arg0, %eq3A_290 : i32
    %convert_element_type3A_292 = arith.extui %eq3A_291 : i1 to i32
    %cond3A_293 = arith.constant 0 : i32
    %cond3A_294 = arith.cmpi ne, %convert_element_type3A_292, %cond3A_293 : i32
    scf.if %cond3A_294 {
      %not3A = arith.constant true
      %not3A_300 = arith.xori %eq3A_3, %not3A : i1
      %convert_element_type3A_301 = arith.extui %not3A_300 : i1 to i32
      %cond3A_302 = arith.constant 0 : i32
      %cond3A_303 = arith.cmpi ne, %convert_element_type3A_301, %cond3A_302 : i32
      scf.if %cond3A_303 {
        "tpu.region"() ({
          %run_scoped3A = tpu.sem_alloc : memref<!tpu.dma_semaphore, #tpu.memory_space<semaphore_mem>>
          %dma_start3A_307 = arith.constant 0 : i32
          %dma_start3A_308 = tpu.memref_slice %arg4[%mul3A_2, %dma_start3A_307] : memref<10000x256xf32, #tpu.memory_space<hbm>> -> memref<640x128xf32, #tpu.memory_space<hbm>>
          %dma_start3A_309 = arith.constant 0 : i32
          %dma_start3A_310 = tpu.memref_slice %arg12[%mul3A_2, %dma_start3A_309] : memref<10240x128xf32, #tpu.memory_space<vmem_shared>> -> memref<640x128xf32, #tpu.memory_space<vmem_shared>>
          tpu.enqueue_dma source(%dma_start3A_310 : memref<640x128xf32, #tpu.memory_space<vmem_shared>>) target(%dma_start3A_308 : memref<640x128xf32, #tpu.memory_space<hbm>>) target_semaphore(%run_scoped3A : memref<!tpu.dma_semaphore, #tpu.memory_space<semaphore_mem>>)
          %dma_wait3A_311 = arith.constant 0 : i32
          %dma_wait3A_312 = tpu.memref_slice %arg4[%mul3A_2, %dma_wait3A_311] : memref<10000x256xf32, #tpu.memory_space<hbm>> -> memref<640x128xf32, #tpu.memory_space<hbm>>
          %dma_wait3A_313 = arith.constant 0 : i32
          %dma_wait3A_314 = tpu.memref_slice %arg12[%mul3A_2, %dma_wait3A_313] : memref<10240x128xf32, #tpu.memory_space<vmem_shared>> -> memref<640x128xf32, #tpu.memory_space<vmem_shared>>
          tpu.wait_dma2 semaphore(%run_scoped3A : memref<!tpu.dma_semaphore, #tpu.memory_space<semaphore_mem>>) src(%dma_wait3A_314 : memref<640x128xf32, #tpu.memory_space<vmem_shared>>) dst(%dma_wait3A_312 : memref<640x128xf32, #tpu.memory_space<hbm>>)
          tpu.yield
        }) : () -> ()
      } else {
      }
      %convert_element_type3A_304 = arith.extui %eq3A_3 : i1 to i32
      %cond3A_305 = arith.constant 0 : i32
      %cond3A_306 = arith.cmpi ne, %convert_element_type3A_304, %cond3A_305 : i32
      scf.if %cond3A_306 {
        "tpu.region"() ({
          %run_scoped3A = tpu.sem_alloc : memref<!tpu.dma_semaphore, #tpu.memory_space<semaphore_mem>>
          %dma_start3A_307 = arith.constant 0 : i32
          %dma_start3A_308 = tpu.memref_slice %arg4[%mul3A_2, %dma_start3A_307] : memref<10000x256xf32, #tpu.memory_space<hbm>> -> memref<400x128xf32, #tpu.memory_space<hbm>>
          %dma_start3A_309 = arith.constant 0 : i32
          %dma_start3A_310 = tpu.memref_slice %arg12[%mul3A_2, %dma_start3A_309] : memref<10240x128xf32, #tpu.memory_space<vmem_shared>> -> memref<400x128xf32, #tpu.memory_space<vmem_shared>>
          tpu.enqueue_dma source(%dma_start3A_310 : memref<400x128xf32, #tpu.memory_space<vmem_shared>>) target(%dma_start3A_308 : memref<400x128xf32, #tpu.memory_space<hbm>>) target_semaphore(%run_scoped3A : memref<!tpu.dma_semaphore, #tpu.memory_space<semaphore_mem>>)
          %dma_wait3A_311 = arith.constant 0 : i32
          %dma_wait3A_312 = tpu.memref_slice %arg4[%mul3A_2, %dma_wait3A_311] : memref<10000x256xf32, #tpu.memory_space<hbm>> -> memref<400x128xf32, #tpu.memory_space<hbm>>
          %dma_wait3A_313 = arith.constant 0 : i32
          %dma_wait3A_314 = tpu.memref_slice %arg12[%mul3A_2, %dma_wait3A_313] : memref<10240x128xf32, #tpu.memory_space<vmem_shared>> -> memref<400x128xf32, #tpu.memory_space<vmem_shared>>
          tpu.wait_dma2 semaphore(%run_scoped3A : memref<!tpu.dma_semaphore, #tpu.memory_space<semaphore_mem>>) src(%dma_wait3A_314 : memref<400x128xf32, #tpu.memory_space<vmem_shared>>) dst(%dma_wait3A_312 : memref<400x128xf32, #tpu.memory_space<hbm>>)
          tpu.yield
        }) : () -> ()
      } else {
      }
    } else {
    }
    %ne3A_295 = arith.constant 0 : i32
    %ne3A_296 = arith.cmpi ne, %arg0, %ne3A_295 : i32
    %convert_element_type3A_297 = arith.extui %ne3A_296 : i1 to i32
    %cond3A_298 = arith.constant 0 : i32
    %cond3A_299 = arith.cmpi ne, %convert_element_type3A_297, %cond3A_298 : i32
    scf.if %cond3A_299 {
      %not3A = arith.constant true
      %not3A_300 = arith.xori %eq3A_3, %not3A : i1
      %convert_element_type3A_301 = arith.extui %not3A_300 : i1 to i32
      %cond3A_302 = arith.constant 0 : i32
      %cond3A_303 = arith.cmpi ne, %convert_element_type3A_301, %cond3A_302 : i32
      scf.if %cond3A_303 {
        "tpu.region"() ({
          %run_scoped3A = tpu.sem_alloc : memref<!tpu.dma_semaphore, #tpu.memory_space<semaphore_mem>>
          %dma_start3A_307 = arith.constant 128 : i32
          %dma_start3A_308 = tpu.memref_slice %arg4[%mul3A_2, %dma_start3A_307] : memref<10000x256xf32, #tpu.memory_space<hbm>> -> memref<640x128xf32, #tpu.memory_space<hbm>>
          %dma_start3A_309 = arith.constant 0 : i32
          %dma_start3A_310 = tpu.memref_slice %arg12[%mul3A_2, %dma_start3A_309] : memref<10240x128xf32, #tpu.memory_space<vmem_shared>> -> memref<640x128xf32, #tpu.memory_space<vmem_shared>>
          tpu.enqueue_dma source(%dma_start3A_310 : memref<640x128xf32, #tpu.memory_space<vmem_shared>>) target(%dma_start3A_308 : memref<640x128xf32, #tpu.memory_space<hbm>>) target_semaphore(%run_scoped3A : memref<!tpu.dma_semaphore, #tpu.memory_space<semaphore_mem>>)
          %dma_wait3A_311 = arith.constant 128 : i32
          %dma_wait3A_312 = tpu.memref_slice %arg4[%mul3A_2, %dma_wait3A_311] : memref<10000x256xf32, #tpu.memory_space<hbm>> -> memref<640x128xf32, #tpu.memory_space<hbm>>
          %dma_wait3A_313 = arith.constant 0 : i32
          %dma_wait3A_314 = tpu.memref_slice %arg12[%mul3A_2, %dma_wait3A_313] : memref<10240x128xf32, #tpu.memory_space<vmem_shared>> -> memref<640x128xf32, #tpu.memory_space<vmem_shared>>
          tpu.wait_dma2 semaphore(%run_scoped3A : memref<!tpu.dma_semaphore, #tpu.memory_space<semaphore_mem>>) src(%dma_wait3A_314 : memref<640x128xf32, #tpu.memory_space<vmem_shared>>) dst(%dma_wait3A_312 : memref<640x128xf32, #tpu.memory_space<hbm>>)
          tpu.yield
        }) : () -> ()
      } else {
      }
      %convert_element_type3A_304 = arith.extui %eq3A_3 : i1 to i32
      %cond3A_305 = arith.constant 0 : i32
      %cond3A_306 = arith.cmpi ne, %convert_element_type3A_304, %cond3A_305 : i32
      scf.if %cond3A_306 {
        "tpu.region"() ({
          %run_scoped3A = tpu.sem_alloc : memref<!tpu.dma_semaphore, #tpu.memory_space<semaphore_mem>>
          %dma_start3A_307 = arith.constant 128 : i32
          %dma_start3A_308 = tpu.memref_slice %arg4[%mul3A_2, %dma_start3A_307] : memref<10000x256xf32, #tpu.memory_space<hbm>> -> memref<400x128xf32, #tpu.memory_space<hbm>>
          %dma_start3A_309 = arith.constant 0 : i32
          %dma_start3A_310 = tpu.memref_slice %arg12[%mul3A_2, %dma_start3A_309] : memref<10240x128xf32, #tpu.memory_space<vmem_shared>> -> memref<400x128xf32, #tpu.memory_space<vmem_shared>>
          tpu.enqueue_dma source(%dma_start3A_310 : memref<400x128xf32, #tpu.memory_space<vmem_shared>>) target(%dma_start3A_308 : memref<400x128xf32, #tpu.memory_space<hbm>>) target_semaphore(%run_scoped3A : memref<!tpu.dma_semaphore, #tpu.memory_space<semaphore_mem>>)
          %dma_wait3A_311 = arith.constant 128 : i32
          %dma_wait3A_312 = tpu.memref_slice %arg4[%mul3A_2, %dma_wait3A_311] : memref<10000x256xf32, #tpu.memory_space<hbm>> -> memref<400x128xf32, #tpu.memory_space<hbm>>
          %dma_wait3A_313 = arith.constant 0 : i32
          %dma_wait3A_314 = tpu.memref_slice %arg12[%mul3A_2, %dma_wait3A_313] : memref<10240x128xf32, #tpu.memory_space<vmem_shared>> -> memref<400x128xf32, #tpu.memory_space<vmem_shared>>
          tpu.wait_dma2 semaphore(%run_scoped3A : memref<!tpu.dma_semaphore, #tpu.memory_space<semaphore_mem>>) src(%dma_wait3A_314 : memref<400x128xf32, #tpu.memory_space<vmem_shared>>) dst(%dma_wait3A_312 : memref<400x128xf32, #tpu.memory_space<hbm>>)
          tpu.yield
        }) : () -> ()
      } else {
      }
    } else {
    }
    return
  }
}

module attributes {stable_mosaic.version = 14 : i64} {
  func.func @body(%arg0: i32, %arg1: memref<2000x256xf32, #tpu.memory_space<vmem>>, %arg2: memref<128x128xf32, #tpu.memory_space<vmem>>, %arg3: memref<1x128xf32, #tpu.memory_space<vmem>>, %arg4: memref<1x128xf32, #tpu.memory_space<vmem>>, %arg5: memref<1x128xf32, #tpu.memory_space<vmem>>, %arg6: memref<128x128xf32, #tpu.memory_space<vmem>>, %arg7: memref<1x128xf32, #tpu.memory_space<vmem>>, %arg8: memref<1x128xf32, #tpu.memory_space<vmem>>, %arg9: memref<1x1xf32, #tpu.memory_space<vmem>>, %arg10: memref<2000x1xf32, #tpu.memory_space<vmem>>) attributes {dimension_semantics = [#tpu.dimension_semantics<arbitrary>], iteration_bounds = array<i64: 5>, scalar_prefetch = 0 : i64, scratch_operands = 0 : i64, tpu.core_type = #tpu.core_type<tc>, window_params = [{transform_indices = @transform_0, window_bounds = array<i64: 2000, 256>}, {pipeline_mode = #tpu.pipeline_mode<synchronous>, transform_indices = @transform_1, window_bounds = array<i64: 128, 128>}, {pipeline_mode = #tpu.pipeline_mode<synchronous>, transform_indices = @transform_2, window_bounds = array<i64: 1, 128>}, {pipeline_mode = #tpu.pipeline_mode<synchronous>, transform_indices = @transform_3, window_bounds = array<i64: 1, 128>}, {pipeline_mode = #tpu.pipeline_mode<synchronous>, transform_indices = @transform_4, window_bounds = array<i64: 1, 128>}, {pipeline_mode = #tpu.pipeline_mode<synchronous>, transform_indices = @transform_5, window_bounds = array<i64: 128, 128>}, {pipeline_mode = #tpu.pipeline_mode<synchronous>, transform_indices = @transform_6, window_bounds = array<i64: 1, 128>}, {pipeline_mode = #tpu.pipeline_mode<synchronous>, transform_indices = @transform_7, window_bounds = array<i64: 1, 128>}, {pipeline_mode = #tpu.pipeline_mode<synchronous>, transform_indices = @transform_8, window_bounds = array<i64: 1, 1>}, {transform_indices = @transform_9, window_bounds = array<i64: 2000, 1>}]} {
    %get3A = arith.constant 0 : index
    %get3A_0 = arith.constant 0 : index
    %get3A_1 = vector.load %arg1[%get3A, %get3A_0] : memref<2000x256xf32, #tpu.memory_space<vmem>>, vector<2000x128xf32>
    %get3A_2 = arith.constant 0 : index
    %get3A_3 = arith.constant 128 : index
    %get3A_4 = vector.load %arg1[%get3A_2, %get3A_3] : memref<2000x256xf32, #tpu.memory_space<vmem>>, vector<2000x128xf32>
    %add3A = arith.addf %get3A_1, %get3A_4 : vector<2000x128xf32>
    %get3A_5 = arith.constant 0 : index
    %get3A_6 = arith.constant 0 : index
    %get3A_7 = vector.load %arg2[%get3A_5, %get3A_6] : memref<128x128xf32, #tpu.memory_space<vmem>>, vector<128x128xf32>
    %dot_general3A = arith.constant dense<0.000000e+00> : vector<2000x128xf32>
    %dot_general3A_8 = tpu.matmul %add3A, %get3A_7, %dot_general3A {dimension_numbers = #tpu.dot_dimension_numbers<[1], [1], [0], [0], [0, 0, 1, 0], [], []>, transpose_lhs_hint = false} : vector<2000x128xf32>, vector<128x128xf32>, vector<2000x128xf32> -> vector<2000x128xf32>
    %get3A_9 = arith.constant 0 : index
    %get3A_10 = arith.constant 0 : index
    %get3A_11 = vector.load %arg3[%get3A_9, %get3A_10] : memref<1x128xf32, #tpu.memory_space<vmem>>, vector<1x128xf32>
    %add3A_12 = vector.broadcast %get3A_11 : vector<1x128xf32> to vector<2000x128xf32>
    %add3A_13 = arith.addf %dot_general3A_8, %add3A_12 : vector<2000x128xf32>
    %max3A = arith.constant 0.000000e+00 : f32
    %max3A_14 = vector.broadcast %max3A : f32 to vector<2000x128xf32>
    %max3A_15 = arith.maximumf %add3A_13, %max3A_14 : vector<2000x128xf32>
    %get3A_16 = arith.constant 0 : index
    %get3A_17 = arith.constant 0 : index
    %get3A_18 = vector.load %arg4[%get3A_16, %get3A_17] : memref<1x128xf32, #tpu.memory_space<vmem>>, vector<1x128xf32>
    %mul3A = vector.broadcast %get3A_18 : vector<1x128xf32> to vector<2000x128xf32>
    %mul3A_19 = arith.mulf %max3A_15, %mul3A : vector<2000x128xf32>
    %get3A_20 = arith.constant 0 : index
    %get3A_21 = arith.constant 0 : index
    %get3A_22 = vector.load %arg5[%get3A_20, %get3A_21] : memref<1x128xf32, #tpu.memory_space<vmem>>, vector<1x128xf32>
    %add3A_23 = vector.broadcast %get3A_22 : vector<1x128xf32> to vector<2000x128xf32>
    %add3A_24 = arith.addf %mul3A_19, %add3A_23 : vector<2000x128xf32>
    %get3A_25 = arith.constant 0 : index
    %get3A_26 = arith.constant 0 : index
    %get3A_27 = vector.load %arg6[%get3A_25, %get3A_26] : memref<128x128xf32, #tpu.memory_space<vmem>>, vector<128x128xf32>
    %dot_general3A_28 = arith.constant dense<0.000000e+00> : vector<2000x128xf32>
    %dot_general3A_29 = tpu.matmul %add3A_24, %get3A_27, %dot_general3A_28 {dimension_numbers = #tpu.dot_dimension_numbers<[1], [1], [0], [0], [0, 0, 1, 0], [], []>, transpose_lhs_hint = false} : vector<2000x128xf32>, vector<128x128xf32>, vector<2000x128xf32> -> vector<2000x128xf32>
    %get3A_30 = arith.constant 0 : index
    %get3A_31 = arith.constant 0 : index
    %get3A_32 = vector.load %arg7[%get3A_30, %get3A_31] : memref<1x128xf32, #tpu.memory_space<vmem>>, vector<1x128xf32>
    %add3A_33 = vector.broadcast %get3A_32 : vector<1x128xf32> to vector<2000x128xf32>
    %add3A_34 = arith.addf %dot_general3A_29, %add3A_33 : vector<2000x128xf32>
    %max3A_35 = arith.constant 0.000000e+00 : f32
    %max3A_36 = vector.broadcast %max3A_35 : f32 to vector<2000x128xf32>
    %max3A_37 = arith.maximumf %add3A_34, %max3A_36 : vector<2000x128xf32>
    %get3A_38 = arith.constant 0 : index
    %get3A_39 = arith.constant 0 : index
    %get3A_40 = vector.load %arg8[%get3A_38, %get3A_39] : memref<1x128xf32, #tpu.memory_space<vmem>>, vector<1x128xf32>
    %mul3A_41 = vector.broadcast %get3A_40 : vector<1x128xf32> to vector<2000x128xf32>
    %mul3A_42 = arith.mulf %max3A_37, %mul3A_41 : vector<2000x128xf32>
    %reduce_sum3A = arith.constant dense<0.000000e+00> : vector<2000xf32>
    %reduce_sum3A_43 = vector.multi_reduction <add>, %mul3A_42, %reduce_sum3A [1] : vector<2000x128xf32> to vector<2000xf32>
    %broadcast_in_dim3A = vector.shape_cast %reduce_sum3A_43 : vector<2000xf32> to vector<2000x1xf32>
    %get3A_44 = arith.constant 0 : index
    %get3A_45 = arith.constant 0 : index
    %get3A_46 = vector.load %arg9[%get3A_44, %get3A_45] : memref<1x1xf32, #tpu.memory_space<vmem>>, vector<1x1xf32>
    %add3A_47 = vector.broadcast %get3A_46 : vector<1x1xf32> to vector<2000x1xf32>
    %add3A_48 = arith.addf %broadcast_in_dim3A, %add3A_47 : vector<2000x1xf32>
    %swap3A = arith.constant 0 : index
    %swap3A_49 = arith.constant 0 : index
    %swap3A_50 = vector.load %arg10[%swap3A, %swap3A_49] : memref<2000x1xf32, #tpu.memory_space<vmem>>, vector<2000x1xf32>
    tpu.vector_store %arg10[%swap3A, %swap3A_49], %add3A_48 {strides = array<i32>} : memref<2000x1xf32, #tpu.memory_space<vmem>>, vector<2000x1xf32>,
    return
  }
  func.func @transform_0(%arg0: i32) -> (i32, i32) {
    %c0_i32 = arith.constant 0 : i32
    %c0_i32_0 = arith.constant 0 : i32
    return %arg0, %c0_i32 : i32, i32
  }
  func.func @transform_1(%arg0: i32) -> (i32, i32) {
    %c0_i32 = arith.constant 0 : i32
    %c0_i32_0 = arith.constant 0 : i32
    %c0_i32_1 = arith.constant 0 : i32
    return %c0_i32, %c0_i32_0 : i32, i32
  }
  func.func @transform_2(%arg0: i32) -> (i32, i32) {
    %c0_i32 = arith.constant 0 : i32
    %c0_i32_0 = arith.constant 0 : i32
    %c0_i32_1 = arith.constant 0 : i32
    return %c0_i32, %c0_i32_0 : i32, i32
  }
  func.func @transform_3(%arg0: i32) -> (i32, i32) {
    %c0_i32 = arith.constant 0 : i32
    %c0_i32_0 = arith.constant 0 : i32
    %c0_i32_1 = arith.constant 0 : i32
    return %c0_i32, %c0_i32_0 : i32, i32
  }
  func.func @transform_4(%arg0: i32) -> (i32, i32) {
    %c0_i32 = arith.constant 0 : i32
    %c0_i32_0 = arith.constant 0 : i32
    %c0_i32_1 = arith.constant 0 : i32
    return %c0_i32, %c0_i32_0 : i32, i32
  }
  func.func @transform_5(%arg0: i32) -> (i32, i32) {
    %c0_i32 = arith.constant 0 : i32
    %c0_i32_0 = arith.constant 0 : i32
    %c0_i32_1 = arith.constant 0 : i32
    return %c0_i32, %c0_i32_0 : i32, i32
  }
  func.func @transform_6(%arg0: i32) -> (i32, i32) {
    %c0_i32 = arith.constant 0 : i32
    %c0_i32_0 = arith.constant 0 : i32
    %c0_i32_1 = arith.constant 0 : i32
    return %c0_i32, %c0_i32_0 : i32, i32
  }
  func.func @transform_7(%arg0: i32) -> (i32, i32) {
    %c0_i32 = arith.constant 0 : i32
    %c0_i32_0 = arith.constant 0 : i32
    %c0_i32_1 = arith.constant 0 : i32
    return %c0_i32, %c0_i32_0 : i32, i32
  }
  func.func @transform_8(%arg0: i32) -> (i32, i32) {
    %c0_i32 = arith.constant 0 : i32
    %c0_i32_0 = arith.constant 0 : i32
    %c0_i32_1 = arith.constant 0 : i32
    return %c0_i32, %c0_i32_0 : i32, i32
  }
  func.func @transform_9(%arg0: i32) -> (i32, i32) {
    %c0_i32 = arith.constant 0 : i32
    %c0_i32_0 = arith.constant 0 : i32
    return %arg0, %c0_i32 : i32, i32
  }
}

</mosaic_0001>

<sc_bundles>
// kernel: kernel.4.cloned.1.call-start
scs
__scs_entry_jumppad:
0x0: {  	(pc) =	sbr.rel $0x88, $3  }
0x1: {  	(tag) =	ssettag $0x0;
	lr =	simm.s32 $0x1  }
0x2: {  	[smem:$0x3F91] =	sst lr;
	_ =	strace $0xD0000000  }
0x3: {  	_ = 	snop  }
0x4: {  	_ = 	snop  }
0x5: {  	_ = 	snop  }
0x6: {  	_ = 	snop  }
0x7: {  	_ = 	snop  }
__scs_overlays_trampoline_lowered:
0x8: {  	[smem:$0x3FA0] =	sst s0  }
0x9: {  	[smem:$0x3FA1] =	sst s1  }
0xa: {  	[smem:$0x3FA2] =	sst s2  }
0xb: {  	[smem:$0x3FA3] =	sst s3  }
0xc: {  	[smem:$0x3FA4] =	sst s4  }
0xd: {  	[smem:$0x3FA5] =	sst s5  }
0xe: {  	[smem:$0x3FA6] =	sst s6  }
0xf: {  	[smem:$0x3FA7] =	sst s7  }
0x10: {  	[smem:$0x3FA8] =	sst s8  }
0x11: {  	[smem:$0x3FA9] =	sst s9;
	s0 =	simm.s32 @!p0 $0x0  }
0x12: {  	s1 =	sld [smem:$0x3F8F];
	s0 =	simm.s32 @p0 $0x1  }
0x13: {  	[smem:$0x3FAA] =	sst s0;
	s0 =	simm.s32 @!p1 $0x0  }
0x14: {  	s2 =	sld [smem:$0x3F8E];
	s0 =	simm.s32 @p1 $0x1  }
0x15: {  	[smem:$0x3FAB] =	sst s0;
	s0 =	simm.s32 @!p2 $0x0  }
0x16: {  	s3 =	sld [smem:$0x3FDB];
	s0 =	simm.s32 @p2 $0x1  }
0x17: {  	s4 =	simm.s32 $0x1BF5;
	[smem:$0x3FAD] =	sst s0  }
0x18: {  	s0 =	sld [smem:$0x3F90];
	_ =	swait.ge [sflag:s4], $0x0  }
0x19: {  	s7 =	sld [smem:$0x3F91]  }
0x1a: {  	s8 =	sadd.s32 $0xFFFFE003, lr  }
0x1b: {  	s9 =	sadd.s32 $0xFFFFFEF7, lr;
	s5 =	simm.s32 $0xFFFFFFFF;
	p2 =	slt.u32 s8, $0xFFFFF086  }
0x1c: {  	p1 =	slt.u32 s9, $0xF7A;
	s5 =	simm.s32 @!p2 $0x0  }
0x1d: {  	s5 =	simm.s32 @p1 $0x1;
	p0 =	seq.s32 s7, s2  }
0x1e: {  	s7 =	smul.u32 @!p0 $0xF7A, s2;
	p2 =	seq.s32 @!p0 s5, $0x0  }
0x1f: {  	s9 =	smul.u32 $0xF7A, s1;
	s8 =	simm.s32 @!p0 $0x1BF5;
	p2 =	por !p2, p0  }
0x20: {  	[sflag:s8] =	ssyncset.s32 @!p0 $0xFFFFF086;
	s6 =	sadd.s32 @!p0 s3, s7;
	s7 =	simm.s32 @!p0 $0x108  }
0x21: {  	s3 =	sadd.s32 s3, s9;
	s6 =	sadd.s32 @!p0 $0x88, s6;
	s7 =	simm.s32 @p2 $0x1082  }
0x22: {  	[simem:s7], [sflag:s8] =	dma.local @!p0 [hbm:s6], $0xF7A  }
0x23: {  	s9 =	sor.u32 $0xD0000000, s2;
	s6 =	simm.s32 $0x108;
	_ =	swait.ge @!p0 [sflag:s8], $0x0  }
0x24: {  	s3 =	sadd.s32 $0x88, s3;
	s6 =	simm.s32 @!p1 $0x1082;
	[sflag:s4] =	ssyncset.s32 $0xFFFFF086  }
0x25: {  	[simem:s6], [sflag:s4] =	dma.local [hbm:s3], $0xF7A  }
0x26: {  	[smem:$0x3F91] =	sst s1;
	(tag) =	ssettag s2;
	_ =	strace s9  }
0x27: {  	s1 =	sld [smem:$0x3FA1]  }
0x28: {  	s2 =	sld [smem:$0x3FA2]  }
0x29: {  	s4 =	sld [smem:$0x3FA4]  }
0x2a: {  	p0 =	seq.s32 s5, $0x0;
	s5 =	sld [smem:$0x3FA5]  }
0x2b: {  	s6 =	sld [smem:$0x3FA6]  }
0x2c: {  	s7 =	sld [smem:$0x3FA7]  }
0x2d: {  	s3 =	simm.s32 $0x108;
	s8 =	sld [smem:$0x3FA8]  }
0x2e: {  	s3 =	simm.s32 @!p0 $0x1082;
	s9 =	sld [smem:$0x3FA9]  }
0x2f: {  	lr =	sadd.s32 s0, s3;
	s0 =	sld [smem:$0x3FA0]  }
0x30: {  	s3 =	sld [smem:$0x3FA3]  }
0x31: {  	[smem:$0x3FAC] =	sst s10  }
0x32: {  	s10 =	sld [smem:$0x3FAA];
	_ =	sdelay $0x3  }
0x33: {  	p0 =	seq.s32 s10, $0x1;
	s10 =	sld [smem:$0x3FAC];
	_ =	sdelay $0x3  }
0x34: {  	[smem:$0x3FAC] =	sst s10  }
0x35: {  	s10 =	sld [smem:$0x3FAB];
	_ =	sdelay $0x3  }
0x36: {  	p1 =	seq.s32 s10, $0x1;
	s10 =	sld [smem:$0x3FAC];
	_ =	sdelay $0x3  }
0x37: {  	[smem:$0x3FAC] =	sst s10  }
0x38: {  	s10 =	sld [smem:$0x3FAD]  }
0x39: {  	_ = 	snop;
	(pc) =	sbr.ind lr, $3  }
0x3a: {  	_ = 	snop  }
0x3b: {  	_ = 	snop  }
0x3c: {  	p2 =	seq.s32 s10, $0x1;
	s10 =	sld [smem:$0x3FAC]  }
0x3d: {  	_ =	shalt  }
0x3e: {  	_ =	shalt  }
0x3f: {  	_ =	shalt  }
0x40: {  	_ =	shalt  }
0x41: {  	_ =	shalt  }
0x42: {  	_ =	shalt  }
0x43: {  	_ =	shalt  }
0x44: {  	_ =	shalt  }
0x45: {  	_ =	shalt  }
0x46: {  	_ =	shalt  }
0x47: {  	_ =	shalt  }
0x48: {  	_ =	shalt  }
0x49: {  	_ =	shalt  }
0x4a: {  	_ =	shalt  }
0x4b: {  	_ =	shalt  }
0x4c: {  	_ =	shalt  }
0x4d: {  	_ =	shalt  }
0x4e: {  	_ =	shalt  }
0x4f: {  	_ =	shalt  }
0x50: {  	_ =	shalt  }
0x51: {  	_ =	shalt  }
0x52: {  	_ =	shalt  }
0x53: {  	_ =	shalt  }
0x54: {  	_ =	shalt  }
0x55: {  	_ =	shalt  }
0x56: {  	_ =	shalt  }
0x57: {  	_ =	shalt  }
0x58: {  	_ =	shalt  }
0x59: {  	_ =	shalt  }
0x5a: {  	_ =	shalt  }
0x5b: {  	_ =	shalt  }
0x5c: {  	_ =	shalt  }
0x5d: {  	_ =	shalt  }
0x5e: {  	_ =	shalt  }
0x5f: {  	_ =	shalt  }
0x60: {  	_ =	shalt  }
0x61: {  	_ =	shalt  }
0x62: {  	_ =	shalt  }
0x63: {  	_ =	shalt  }
0x64: {  	_ =	shalt  }
0x65: {  	_ =	shalt  }
0x66: {  	_ =	shalt  }
0x67: {  	_ =	shalt  }
0x68: {  	_ =	shalt  }
0x69: {  	_ =	shalt  }
0x6a: {  	_ =	shalt  }
0x6b: {  	_ =	shalt  }
0x6c: {  	_ =	shalt  }
0x6d: {  	_ =	shalt  }
0x6e: {  	_ =	shalt  }
0x6f: {  	_ =	shalt  }
0x70: {  	_ =	shalt  }
0x71: {  	_ =	shalt  }
0x72: {  	_ =	shalt  }
0x73: {  	_ =	shalt  }
0x74: {  	_ =	shalt  }
0x75: {  	_ =	shalt  }
0x76: {  	_ =	shalt  }
0x77: {  	_ =	shalt  }
0x78: {  	_ =	shalt  }
0x79: {  	_ =	shalt  }
0x7a: {  	_ =	shalt  }
0x7b: {  	_ =	shalt  }
0x7c: {  	_ =	shalt  }
0x7d: {  	_ =	shalt  }
0x7e: {  	_ =	shalt  }
0x7f: {  	_ =	shalt  }
0x80: {  	_ =	shalt  }
0x81: {  	_ =	shalt  }
0x82: {  	_ =	shalt  }
0x83: {  	_ =	shalt  }
0x84: {  	_ =	shalt  }
0x85: {  	_ =	shalt  }
0x86: {  	_ =	shalt  }
0x87: {  	_ =	shalt  }
.Lfunc_end0:
.L_simem_size_0:
called_computation_lowered:
.L_overlay_start_0:
0x88: {  	s2 =	sld [smem:$0x3FD9]  }
0x89: {  	s3 =	sld [smem:$0x3FFE];
	_ =	sdelay $0x1  }
0x8a: {  	s1 =	srdreg.scid  }
0x8b: {  	s0 =	sand.u32 $0x1, s1  }
0x8c: {  	s17 =	sshll.u32 s0, $0xA;
	s2 =	sadd.s32 s3, s2  }
0x8d: {  	s2 =	sadd.s32 s2, s17  }
0x8e: {  	[smem:$0x3FB8] =	sst s2  }
0x8f: {  	_ = 	snop  }
0x90: {  	s2 =	sld [smem:$0x3FC9];
	(tm) =	ssettm $0x1  }
0x91: {  	s18 =	sld [smem:$0x3FFB];
	_ =	sdelay $0x3  }
0x92: {  	_ =	strace s18  }
0x93: {  	s3 =	sld [smem:$0x3FFC];
	_ =	sdelay $0x3  }
0x94: {  	_ =	strace s3  }
0x95: {  	s3 =	sld [smem:$0x3FFD];
	_ =	sdelay $0x3  }
0x96: {  	_ =	strace s3  }
0x97: {  	_ =	strace $0x8FFFFFFF  }
0x98: {  	s19 =	sld [smem:$0x3FDB];
	_ =	sdelay $0x1  }
0x99: {  	s4 =	simm.s32 $_scs_section_size  }
0x9a: {  	s5 =	simm.s32 $_size__tile_overlayer_lowered;
	s6 =	simm.s32 $_tile_overlayer_lowered  }
0x9b: {  	s22 =	simm.s32 $0x1BFF;
	s21 =	sshll.u32 s6, $0x1;
	s3 =	sadd.s32 s4, s19  }
0x9c: {  	s7 =	simm.s32 $0x0;
	s20 =	sshll.u32 s5, $0x1;
	s5 =	sadd.s32 s21, s3  }
0x9d: {  	[timem:s7], [sflag:s22] =	dma.local [hbm:s5], s20  }
0x9e: {  	_ =	swait.ge [sflag:s22], s20  }
0x9f: {  	s4 =	ssub.s32 $0x0, s20;
	[sflag:s22] =	ssyncset.done $0x0  }
0xa0: {  	[sflag:s22] =	ssyncadd.s32 s4;
	_ =	sdelay $0x1  }
0xa1: {  	s23 =	simm.s32 $0x1B8B  }
0xa2: {  	_ =	swait.ge [sflag:s23], $0x1  }
0xa3: {  	[sflag:s23] =	ssyncset.done $0x0  }
0xa4: {  	s25 =	simm.s32 $0x1B8E;
	s24 =	sld [smem:$0x3FFE];
	[sflag:s23] =	ssyncadd.s32 $0xFFFFFFFF  }
0xa5: {  	s26 =	simm.s32 $execute0_lowered;
	[smem:$0x3FD2] =	sst s25  }
0xa6: {  	s5 =	sshll.u32 s26, $0x1;
	_ =	strace $0x80000046;
	[dreg:$0x1] =	wrdreg $0xFFFFFFFF  }
0xa7: {  	s28 =	simm.s32 $_size_execute0_lowered;
	s3 =	sadd.s32 s3, s5;
	[dreg:$0x0] =	wrdreg $0x0  }
0xa8: {  	s5 =	sshll.u32 s28, $0x1;
	[dreg:$0x2] =	wrdreg s3  }
0xa9: {  	[dreg:$0x3] =	wrdreg s5  }
0xaa: {  	[dreg:$0x4] =	wrdreg $0xC0  }
0xab: {  	_ =	task [dreg:s7], $0x5FFFF  }
0xac: {  	[dreg:$0x1] =	wrdreg $0xFFFFFFFF  }
0xad: {  	[dreg:$0x0] =	wrdreg $0x60  }
0xae: {  	[dreg:$0x2] =	wrdreg s2  }
0xaf: {  	[dreg:$0x3] =	wrdreg s24  }
0xb0: {  	[dreg:$0x4] =	wrdreg $0xC0000  }
0xb1: {  	[dreg:$0x5] =	wrdreg $0x9  }
0xb2: {  	_ =	task.clear_ibuf [dreg:s7], $0x6FFFF;
	_ =	strace $0x90000046  }
0xb3: {  	s29 =	simm.s32 $0x9;
	_ =	strace $0x80000048  }
0xb4: {  	_ =	swait.ge [sflag:s29], $0x1  }
0xb5: {  	[sflag:s29] =	ssyncadd.s32 $0xFFFFFFFF  }
0xb6: {  	_ =	strace $0x90000048  }
0xb7: {  	_ =	sfence  }
0xb8: {  	s30 =	sld [smem:$0x0];
	_ =	sdelay $0x2  }
0xb9: {  	s31 =	sshll.u32 s1, $0xD;
	s1 =	sshrl.u32 s1, $0x2  }
0xba: {  	s3 =	sand.u32 $0x4000, s31;
	s1 =	sadd.s32 s1, s30  }
0xbb: {  	s0 =	sor.u32 s3, s0;
	s1 =	sshll.u32 s1, $0x11  }
0xbc: {  	s0 =	sor.u32 s1, s0  }
0xbd: {  	s0 =	sadd.s32 $0x8F2B, s0  }
0xbe: {  	[sflag:s0] =	ssyncadd.remote.s32 $0x1  }
0xbf: {  	_ =	sfence.sel $0xFFFF  }
0xc0: {  	[dreg:$0x0] =	wrdreg $0xFFFFFFFF;
	(pc) =	sbr.abs _section_cstart, $3  }
0xc1: {  	[dreg:$0x1] =	wrdreg $0xFFFFFFFF  }
0xc2: {  	_ =	task.clear_ibuf [dreg:s7], $0x2FFFF;
	_ =	strace $0x9FFFFFFF  }
0xc3: {  	(tm) =	ssettm $0x7FFFFFFF  }
tec
execute0_lowered:
.L_overlay_start_1:
0x0: {  	(tag) =	ssettag $0x1  }
0x1: {  	s1 =	rddreg [dreg:$0x0]  }
0x2: {  	s0 =	rddreg [dreg:$0x1]  }
0x3: {  	s3 =	rddreg [dreg:$0x2];
	s2 =	simm.s32 $0x0  }
0x4: {  	s5 =	srdreg.scid;
	s28 =	simm.s32 $0x4100;
	s29 =	simm.s32 $0x9400  }
0x5: {  	s30 =	simm.s32 $0x2;
	s31 =	simm.s32 $0x4280;
	s16 =	simm.s32 $0x6  }
0x6: {  	[smem:$0x7FF] =	sst s2;
	s2 =	stileid.u32;
	s8 =	sand.u32 $0x1, s5  }
0x7: {  	s5 =	simm.s32 $0x32;
	s23 =	sadd.s32 $0x25800, s1;
	s25 =	sadd.s32 $0x5C880, s0  }
0x8: {  	s4 =	smul.u32 $0x5000, s2;
	_ =	strace $0x80000047;
	s6 =	sshll.u32 s2, $0xB  }
0x9: {  	s18 =	ssub.s32 $0x2, s8;
	s9 =	sshll.u32 s8, $0xF;
	s10 =	smul.u32 $0x50000, s2  }
0xa: {  	p0 =	seq.s32 s2, $0xF;
	s21 =	smul.u32 $0x2800, s2;
	[dreg:$0x6] =	wrdreg s23  }
0xb: {  	[dreg:$0x8] =	wrdreg s25;
	p6 =	sne.s32 s8, $0x0;
	s23 =	simm.s32 $0x4080  }
0xc: {  	s25 =	simm.s32 $0x1;
	s8 =	simm.s32 $0x4300;
	s17 =	sadd.s32 s6, s0  }
0xd: {  	s7 =	sshrl.u32 s18, $0x1;
	s5 =	simm.s32 @!p0 $0x50;
	p3 =	seq.s32 @p6 s2, $0xF  }
0xe: {  	p5 =	seq.s32 @!p6 s2, $0xF;
	s4 =	sadd.s32 s4, s0;
	s6 =	ssub.s32 s18, s7  }
0xf: {  	s19 =	sadd.s32 s9, s17;
	s20 =	sshrl.u32 s10, $0x2;
	s22 =	sadd.s32 s1, s21  }
0x10: {  	s9 =	sadd.s32 $0x12C000, s3;
	s0 =	sadd.s32 $0x5C800, s0;
	s21 =	simm.s32 $0x4000  }
0x11: {  	p2 =	por !p3, !p6;
	p3 =	por p3, !p6;
	p4 =	por !p5, p6  }
0x12: {  	p5 =	por p5, p6;
	s10 =	simm.s32 $0x5;
	s17 =	simm.s32 $0xBC00  }
0x13: {  	s18 =	simm.s32 $0x8;
	s7 =	sadd.s32 $0x1800, s19;
	[dreg:$0x5] =	wrdreg s22  }
0x14: {  	s24 =	sadd.s32 $0x11880, s4;
	s4 =	sadd.s32 $0x11800, s4;
	[dreg:$0xa] =	wrdreg s0  }
0x15: {  	s26 =	smax.u32 s6, $0x1;
	s0 =	sshll.u32 @!p0 s2, $0x6;
	[dreg:$0x4] =	wrdreg s7  }
0x16: {  	s22 =	simm.s32 $0x4400;
	s6 =	simm.s32 $0x0;
	[dreg:$0x7] =	wrdreg s24  }
0x17: {  	s2 =	simm.s32 @!p6 $0x0;
	s7 =	sadd.s32 s20, s3;
	[dreg:$0x9] =	wrdreg s4  }
.Ltmp0:
0x18: {  	[dreg:$0xb] =	wrdreg s26;
	s4 =	sshrl.u32 @p0 s9, $0x3;
	(pc) =	sbr.rel .LBB2_1-.Ltmp0, $4  }
0x19: {  	s0 =	sor.u32 @!p0 $0x1C09, s0;
	s20 =	simm.s32 $0x50;
	[dreg:$0xc] =	wrdreg s4  }
0x1a: {  	s24 =	simm.s32 $0x6C00;
	s2 =	simm.s32 @p6 $0x1;
	[dreg:$0xd] =	wrdreg s0  }
0x1b: {  	s26 =	simm.s32 $0x4200;
	s0 =	sshrl.u32 @!p0 s7, $0x3;
	[smem:$0x7FD] =	sst s2  }
0x1c: {  	v0 =	vimm.f32 $0.0e+00;
	s4 =	simm.s32 $0x3;
	[dreg:$0xe] =	wrdreg s0;
	s0 =	simm.s32 $0x4  }
.LBB2_15:
0x1d: {  	_ =	swait.ge [sflag:s30], $0x2800  }
0x1e: {  	[sflag:s30] =	ssyncset.done $0x0  }
0x1f: {  	[sflag:s30] =	ssyncadd.s32 $0xFFFFD800  }
0x20: {  	[spmem:s3] =	stream.indirect.scatter.add.f32 [tilespmem:s24], [sflag:$0x5], $0x80, s31, s20, $0xb8;
	v63 =	vld [tilespmem:$0x0]  }
.LBB2_13:
0x21: {  	_ =	swait.ge [sflag:s16], $0x2800  }
0x22: {  	[sflag:s16] =	ssyncset.done $0x0  }
0x23: {  	[sflag:s16] =	ssyncadd.s32 $0xFFFFD800  }
0x24: {  	_ =	swait.ge [sflag:s0], $0x2800  }
0x25: {  	[sflag:s0] =	ssyncset.done $0x0  }
0x26: {  	[sflag:s0] =	ssyncadd.s32 $0xFFFFD800  }
0x27: {  	_ =	swait.ge [sflag:s10], $0x2800  }
0x28: {  	[sflag:s10] =	ssyncset.done $0x0  }
0x29: {  	s11 =	sshrl.u32 @!p2 s9, $0x3;
	s12 =	simm.s32 @!p2 $0x8;
	[sflag:s10] =	ssyncadd.s32 $0xFFFFD800  }
0x2a: {  	s13 =	simm.s32 @!p2 $0x100;
	s14 =	simm.s32 @!p2 $0x80;
	[bflag:$0x0] =	sbarrier.arrive $0xFFFF  }
0x2b: {  	s15 =	simm.s32 @!p2 $0x1FC9;
	s19 =	stileid.u32;
	s2 =	rddreg [dreg:$0x8]  }
0x2c: {  	[hbm:s2@s13], [sflag:s15] =	dma.strided @!p2 [spmem:s11@s14], $0x1900, s12, $0x10   }
0x2d: {  	s11 =	simm.s32 @!p2 $0x9;
	s12 =	sshll.u32 @!p3 s19, $0x6  }
0x2e: {  	s13 =	simm.s32 @!p3 $0x8;
	s14 =	simm.s32 @!p3 $0x100;
	_ =	swait.ge @!p2 [sflag:s11], $0x1900  }
0x2f: {  	s15 =	simm.s32 @!p3 $0x80;
	[sflag:s11] =	ssyncset.done @!p2 $0x0;
	s2 =	rddreg [dreg:$0x7]  }
0x30: {  	[sflag:s11] =	ssyncadd.s32 @!p2 $0xFFFFE700;
	s11 =	sor.u32 @!p3 $0x1C09, s12;
	s12 =	sshrl.u32 @!p3 s7, $0x3  }
0x31: {  	[hbm:s2@s14], [sflag:s11] =	dma.strided @!p3 [spmem:s12@s15], $0x2800, s13, $0x10   }
0x32: {  	s11 =	simm.s32 @!p3 $0x9  }
0x33: {  	s12 =	simm.s32 @!p4 $0x8;
	s13 =	simm.s32 @!p4 $0x100;
	_ =	swait.ge @!p3 [sflag:s11], $0x2800  }
0x34: {  	s14 =	simm.s32 @!p4 $0x80;
	s15 =	simm.s32 @!p4 $0x1FC9;
	[sflag:s11] =	ssyncset.done @!p3 $0x0  }
0x35: {  	s2 =	rddreg [dreg:$0xa];
	[sflag:s11] =	ssyncadd.s32 @!p3 $0xFFFFD800;
	s11 =	sshrl.u32 @!p4 s9, $0x3  }
0x36: {  	[hbm:s2@s13], [sflag:s15] =	dma.strided @!p4 [spmem:s11@s14], $0x1900, s12, $0x10   }
0x37: {  	s11 =	simm.s32 @!p4 $0x9;
	s12 =	sshll.u32 @!p5 s19, $0x6  }
0x38: {  	s13 =	simm.s32 @!p5 $0x8;
	s14 =	simm.s32 @!p5 $0x100;
	_ =	swait.ge @!p4 [sflag:s11], $0x1900  }
0x39: {  	s15 =	simm.s32 @!p5 $0x80;
	[sflag:s11] =	ssyncset.done @!p4 $0x0;
	s19 =	rddreg [dreg:$0x9]  }
0x3a: {  	[sflag:s11] =	ssyncadd.s32 @!p4 $0xFFFFE700;
	s11 =	sor.u32 @!p5 $0x1C09, s12;
	s12 =	sshrl.u32 @!p5 s7, $0x3  }
0x3b: {  	[hbm:s19@s14], [sflag:s11] =	dma.strided @!p5 [spmem:s12@s15], $0x2800, s13, $0x10   }
0x3c: {  	s11 =	simm.s32 @!p5 $0x9  }
0x3d: {  	_ =	swait.ge @!p5 [sflag:s11], $0x2800  }
0x3e: {  	s6 =	sadd.s32 $0x1, s6;
	s19 =	rddreg [dreg:$0xb]  }
0x3f: {  	p1 =	sne.s32 s6, s19  }
.Ltmp1:
0x40: {  	_ = 	snop;
	(pc) =	sbr.rel @!p1 .LBB2_14-.Ltmp1, $3  }
0x41: {  	_ =	sdelay $0x1  }
0x42: {  	[sflag:s11] =	ssyncset.done @!p5 $0x0  }
0x43: {  	s2 =	stileid.u32;
	[sflag:s11] =	ssyncadd.s32 @!p5 $0xFFFFD800  }
.LBB2_1:
.Ltmp2:
0x44: {  	(pc) =	sbr.rel @p6 .LBB2_3-.Ltmp2, $3  }
0x45: {  	_ =	sdelay $0x1  }
0x46: {  	s11 =	simm.s32 $0x0;
	s12 =	rddreg [dreg:$0x4]  }
0x47: {  	[tilespmem:s11], [sflag:$0x7] =	stream.linear.gather [hbm4b:s12+s11], $0x3E80, $0x38;
	v63 =	vld [tilespmem:$0x0]  }
0x48: {  	s12 =	rddreg [dreg:$0x6]  }
0x49: {  	s11 =	simm.s32 @p0 $0x1FC9;
	s2 =	rddreg [dreg:$0xc]  }
0x4a: {  	[spmem:s2], [sflag:s11] =	dma.local @p0 [hbm:s12], $0x1900  }
0x4b: {  	s11 =	simm.s32 @p0 $0x9  }
0x4c: {  	_ =	swait.ge @p0 [sflag:s11], $0x1900  }
0x4d: {  	s2 =	rddreg [dreg:$0xd]  }
0x4e: {  	[sflag:s11] =	ssyncset.done @p0 $0x0;
	s12 =	rddreg [dreg:$0xe]  }
0x4f: {  	[sflag:s11] =	ssyncadd.s32 @p0 $0xFFFFE700;
	s11 =	rddreg [dreg:$0x5]  }
0x50: {  	[spmem:s12], [sflag:s2] =	dma.local @!p0 [hbm:s11], $0x2800  }
.Ltmp3:
0x51: {  	_ = 	snop;
	(pc) =	sbr.rel .LBB2_8-.Ltmp3, $4  }
0x52: {  	s11 =	simm.s32 @!p0 $0x9  }
0x53: {  	_ =	swait.ge @!p0 [sflag:s11], $0x2800  }
0x54: {  	[sflag:s11] =	ssyncset.done @!p0 $0x0  }
0x55: {  	[sflag:s11] =	ssyncadd.s32 @!p0 $0xFFFFD800  }
.LBB2_3:
0x56: {  	[tilespmem:$0xBC00] =	vst v0  }
0x57: {  	[tilespmem:$0xBC10] =	vst v0  }
0x58: {  	[tilespmem:$0xBC20] =	vst v0  }
0x59: {  	[tilespmem:$0xBC30] =	vst v0  }
0x5a: {  	[tilespmem:$0xBC40] =	vst v0  }
0x5b: {  	[tilespmem:$0xBC50] =	vst v0  }
0x5c: {  	[tilespmem:$0xBC60] =	vst v0  }
0x5d: {  	[tilespmem:$0xBC70] =	vst v0  }
0x5e: {  	[tilespmem:$0xBC80] =	vst v0  }
0x5f: {  	[tilespmem:$0xBC90] =	vst v0  }
0x60: {  	[tilespmem:$0xBCA0] =	vst v0  }
0x61: {  	[tilespmem:$0xBCB0] =	vst v0  }
0x62: {  	[tilespmem:$0xBCC0] =	vst v0  }
0x63: {  	[tilespmem:$0xBCD0] =	vst v0  }
0x64: {  	[tilespmem:$0xBCE0] =	vst v0  }
0x65: {  	[tilespmem:$0xBCF0] =	vst v0  }
0x66: {  	[tilespmem:$0xBD00] =	vst v0  }
0x67: {  	[tilespmem:$0xBD10] =	vst v0  }
0x68: {  	[tilespmem:$0xBD20] =	vst v0  }
0x69: {  	[tilespmem:$0xBD30] =	vst v0  }
0x6a: {  	[tilespmem:$0xBD40] =	vst v0  }
0x6b: {  	[tilespmem:$0xBD50] =	vst v0  }
0x6c: {  	[tilespmem:$0xBD60] =	vst v0  }
0x6d: {  	[tilespmem:$0xBD70] =	vst v0  }
0x6e: {  	[tilespmem:$0xBD80] =	vst v0  }
0x6f: {  	[tilespmem:$0xBD90] =	vst v0  }
0x70: {  	[tilespmem:$0xBDA0] =	vst v0  }
0x71: {  	[tilespmem:$0xBDB0] =	vst v0  }
0x72: {  	[tilespmem:$0xBDC0] =	vst v0  }
0x73: {  	[tilespmem:$0xBDD0] =	vst v0  }
0x74: {  	[tilespmem:$0xBDE0] =	vst v0  }
0x75: {  	[tilespmem:$0xBDF0] =	vst v0  }
0x76: {  	[tilespmem:$0xBE00] =	vst v0  }
0x77: {  	[tilespmem:$0xBE10] =	vst v0  }
0x78: {  	[tilespmem:$0xBE20] =	vst v0  }
0x79: {  	[tilespmem:$0xBE30] =	vst v0  }
0x7a: {  	[tilespmem:$0xBE40] =	vst v0  }
0x7b: {  	[tilespmem:$0xBE50] =	vst v0  }
0x7c: {  	[tilespmem:$0xBE60] =	vst v0  }
0x7d: {  	[tilespmem:$0xBE70] =	vst v0  }
0x7e: {  	[tilespmem:$0xBE80] =	vst v0  }
0x7f: {  	[tilespmem:$0xBE90] =	vst v0  }
0x80: {  	[tilespmem:$0xBEA0] =	vst v0  }
0x81: {  	[tilespmem:$0xBEB0] =	vst v0  }
0x82: {  	[tilespmem:$0xBEC0] =	vst v0  }
0x83: {  	[tilespmem:$0xBED0] =	vst v0  }
0x84: {  	[tilespmem:$0xBEE0] =	vst v0  }
0x85: {  	[tilespmem:$0xBEF0] =	vst v0  }
0x86: {  	[tilespmem:$0xBF00] =	vst v0  }
0x87: {  	[tilespmem:$0xBF10] =	vst v0  }
0x88: {  	[tilespmem:$0xBF20] =	vst v0  }
0x89: {  	[tilespmem:$0xBF30] =	vst v0  }
0x8a: {  	[tilespmem:$0xBF40] =	vst v0  }
0x8b: {  	[tilespmem:$0xBF50] =	vst v0  }
0x8c: {  	[tilespmem:$0xBF60] =	vst v0  }
0x8d: {  	[tilespmem:$0xBF70] =	vst v0  }
0x8e: {  	[tilespmem:$0xBF80] =	vst v0  }
0x8f: {  	[tilespmem:$0xBF90] =	vst v0  }
0x90: {  	[tilespmem:$0xBFA0] =	vst v0  }
0x91: {  	[tilespmem:$0xBFB0] =	vst v0;
	p6 =	sne.s32 s5, $0x1  }
.Ltmp4:
0x92: {  	[tilespmem:$0xBFC0] =	vst v0;
	(pc) =	sbr.rel @!p6 .LBB2_5-.Ltmp4, $4  }
0x93: {  	[tilespmem:$0xBFD0] =	vst v0  }
0x94: {  	[tilespmem:$0xBFE0] =	vst v0  }
0x95: {  	[tilespmem:$0xBFF0] =	vst v0;
	s11 =	sadd.s32 $0xFFFFFFFF, s5;
	s12 =	smov.u32 s7  }
0x96: {  	[spmem:s7] =	stream.linear.scatter [tilespmem:s17], [sflag:$0x8], $0x400, $0x38;
	v63 =	vld [tilespmem:$0x0]  }
.LBB2_4:
0x97: {  	p1 =	sne.s32 s11, $0x1  }
.Ltmp5:
0x98: {  	_ = 	snop;
	(pc) =	sbr.rel @p1 .LBB2_4-.Ltmp5, $3  }
0x99: {  	_ = 	snop  }
0x9a: {  	s11 =	sadd.s32 $0xFFFFFFFF, s11;
	s12 =	sadd.s32 $0x400, s12;
	_ =	sdelay $0x1  }
0x9b: {  	[spmem:s12] =	stream.linear.scatter [tilespmem:s17], [sflag:$0x8], $0x400, $0x38;
	v63 =	vld [tilespmem:$0x0]  }
.LBB2_5:
.Ltmp6:
0x9c: {  	(pc) =	sbr.rel @!p6 .LBB2_7-.Ltmp6, $3  }
0x9d: {  	_ =	sdelay $0x1  }
0x9e: {  	_ =	swait.ge [sflag:s18], $0x400  }
0x9f: {  	s11 =	sadd.s32 $0xFFFFFFFF, s5;
	[sflag:s18] =	ssyncset.done $0x0  }
.LBB2_6:
0xa0: {  	p1 =	sne.s32 s11, $0x1;
	s11 =	sadd.s32 $0xFFFFFFFF, s11;
	[sflag:s18] =	ssyncadd.s32 $0xFFFFFC00  }
.Ltmp7:
0xa1: {  	(pc) =	sbr.rel @p1 .LBB2_6-.Ltmp7, $3  }
0xa2: {  	_ =	sdelay $0x1  }
0xa3: {  	_ =	swait.ge [sflag:s18], $0x400  }
0xa4: {  	[sflag:s18] =	ssyncset.done $0x0  }
.LBB2_7:
0xa5: {  	s2 =	sld [smem:$0x7FD];
	_ =	sdelay $0x2  }
0xa6: {  	[sflag:s18] =	ssyncadd.s32 $0xFFFFFC00;
	p6 =	seq.s32 s2, $0x1  }
.LBB2_8:
0xa7: {  	[bflag:$0x0] =	sbarrier.arrive $0xFFFF;
	s2 =	simm.s32 $0x7  }
0xa8: {  	_ =	swait.ge [sflag:s2], $0x3E80  }
0xa9: {  	[sflag:s2] =	ssyncset.done $0x0  }
0xaa: {  	[sflag:s2] =	ssyncadd.s32 $0xFFFFC180  }
0xab: {  	v1 =	vld [tilespmem:$0x0];
	_ =	sdelay $0x1  }
0xac: {  	v2 =	vld [tilespmem:$0x10];
	_ =	sdelay $0x1  }
0xad: {  	v3 =	vld [tilespmem:$0x20]  }
0xae: {  	v4 =	vshrl.u32 v1, $0x10  }
0xaf: {  	v60 =	vld [tilespmem:$0x30];
	v1 =	vand.u32 $0xFFFF, v1;
	[tilespmem:$0x4000] =	vst v4  }
0xb0: {  	[tilespmem:$0x4200] =	vst v1;
	v1 =	vshrl.u32 v2, $0x10  }
0xb1: {  	[tilespmem:$0x4010] =	vst v1;
	v1 =	vand.u32 $0xFFFF, v2;
	v2 =	vld [tilespmem:$0x40]  }
0xb2: {  	[tilespmem:$0x4210] =	vst v1;
	v1 =	vshrl.u32 v3, $0x10  }
0xb3: {  	[tilespmem:$0x4020] =	vst v1;
	v1 =	vand.u32 $0xFFFF, v3  }
0xb4: {  	[tilespmem:$0x4220] =	vst v1;
	v1 =	vshrl.u32 v60, $0x10  }
0xb5: {  	[tilespmem:$0x4030] =	vst v1;
	v1 =	vand.u32 $0xFFFF, v60  }
0xb6: {  	[tilespmem:$0x4230] =	vst v1;
	v1 =	vshrl.u32 v2, $0x10  }
0xb7: {  	[tilespmem:$0x4040] =	vst v1;
	v1 =	vand.u32 $0xFFFF, v2  }
0xb8: {  	[tilespmem:$0x4240] =	vst v1  }
0xb9: {  	[tilespmem:s22], [sflag:$0x1] =	stream.indirect.gather [hbm4b:s1+s20], $0x80, s21, s20, $0xb8;
	v63 =	vld [tilespmem:$0x0]  }
0xba: {  	v1 =	vld [tilespmem:$0x80];
	_ =	sdelay $0x1  }
0xbb: {  	v2 =	vld [tilespmem:$0x90];
	_ =	sdelay $0x1  }
0xbc: {  	v3 =	vld [tilespmem:$0xA0]  }
0xbd: {  	v61 =	vshrl.u32 v1, $0x10  }
0xbe: {  	v62 =	vld [tilespmem:$0xB0];
	v1 =	vand.u32 $0xFFFF, v1;
	[tilespmem:$0x4080] =	vst v61  }
0xbf: {  	[tilespmem:$0x4280] =	vst v1;
	v1 =	vshrl.u32 v2, $0x10  }
0xc0: {  	[tilespmem:$0x4090] =	vst v1;
	v1 =	vand.u32 $0xFFFF, v2;
	v2 =	vld [tilespmem:$0xC0]  }
0xc1: {  	[tilespmem:$0x4290] =	vst v1;
	v1 =	vshrl.u32 v3, $0x10  }
0xc2: {  	[tilespmem:$0x40A0] =	vst v1;
	v1 =	vand.u32 $0xFFFF, v3  }
0xc3: {  	[tilespmem:$0x42A0] =	vst v1;
	v1 =	vshrl.u32 v62, $0x10  }
.Ltmp8:
0xc4: {  	[tilespmem:$0x40B0] =	vst v1;
	v1 =	vand.u32 $0xFFFF, v62;
	(pc) =	sbr.rel .LBB2_9-.Ltmp8, $4  }
0xc5: {  	[tilespmem:$0x42B0] =	vst v1;
	v1 =	vshrl.u32 v2, $0x10  }
0xc6: {  	[tilespmem:$0x40C0] =	vst v1;
	v1 =	vand.u32 $0xFFFF, v2  }
0xc7: {  	s11 =	simm.s32 $0x0;
	s12 =	simm.s32 $0x120;
	[tilespmem:$0x42C0] =	vst v1  }
0xc8: {  	[tilespmem:s24], [sflag:$0x2] =	stream.indirect.gather [hbm4b:s1+s20], $0x80, s23, s20, $0xb8;
	v63 =	vld [tilespmem:$0x0]  }
.LBB2_11:
0xc9: {  	_ =	swait.ge [sflag:s16], $0x2800  }
0xca: {  	[sflag:s16] =	ssyncset.done $0x0  }
0xcb: {  	[sflag:s16] =	ssyncadd.s32 $0xFFFFD800  }
.LBB2_12:
0xcc: {  	v1 =	vld [tilespmem:s12+$0xFFFFFFE0];
	_ =	sdelay $0x4  }
0xcd: {  	v2 =	vshrl.u32 v1, $0x10  }
0xce: {  	v1 =	vand.u32 $0xFFFF, v1;
	[tilespmem:$0x4100] =	vst v2  }
0xcf: {  	[tilespmem:$0x4300] =	vst v1  }
0xd0: {  	v1 =	vld [tilespmem:s12+$0xFFFFFFF0];
	_ =	sdelay $0x4  }
0xd1: {  	v2 =	vshrl.u32 v1, $0x10  }
0xd2: {  	v1 =	vand.u32 $0xFFFF, v1;
	[tilespmem:$0x4110] =	vst v2  }
0xd3: {  	[tilespmem:$0x4310] =	vst v1  }
0xd4: {  	v1 =	vld [tilespmem:s12+$0x0];
	_ =	sdelay $0x4  }
0xd5: {  	v2 =	vshrl.u32 v1, $0x10  }
0xd6: {  	v1 =	vand.u32 $0xFFFF, v1;
	[tilespmem:$0x4120] =	vst v2  }
0xd7: {  	[tilespmem:$0x4320] =	vst v1  }
0xd8: {  	v1 =	vld [tilespmem:s12+$0x10];
	_ =	sdelay $0x4  }
0xd9: {  	v2 =	vshrl.u32 v1, $0x10  }
0xda: {  	v1 =	vand.u32 $0xFFFF, v1;
	[tilespmem:$0x4130] =	vst v2  }
0xdb: {  	[tilespmem:$0x4330] =	vst v1  }
0xdc: {  	v1 =	vld [tilespmem:s12+$0x20];
	_ =	sdelay $0x4  }
0xdd: {  	v2 =	vshrl.u32 v1, $0x10  }
0xde: {  	v1 =	vand.u32 $0xFFFF, v1;
	[tilespmem:$0x4140] =	vst v2  }
0xdf: {  	[tilespmem:$0x4340] =	vst v1  }
0xe0: {  	[tilespmem:s29], [sflag:$0x3] =	stream.indirect.gather [hbm4b:s1+s20], $0x80, s28, s20, $0xb8;
	v63 =	vld [tilespmem:$0x0]  }
0xe1: {  	_ =	swait.ge [sflag:s30], $0x2800  }
0xe2: {  	[sflag:s30] =	ssyncset.done $0x0  }
0xe3: {  	[sflag:s30] =	ssyncadd.s32 $0xFFFFD800  }
0xe4: {  	[spmem:s3] =	stream.indirect.scatter.add.f32 [tilespmem:s24], [sflag:$0x5], $0x80, s31, s20, $0xb8;
	v63 =	vld [tilespmem:$0x0]  }
0xe5: {  	_ =	swait.ge [sflag:s0], $0x2800  }
0xe6: {  	[sflag:s0] =	ssyncset.done $0x0  }
0xe7: {  	[sflag:s0] =	ssyncadd.s32 $0xFFFFD800  }
0xe8: {  	v1 =	vld [tilespmem:s12+$0x60];
	_ =	sdelay $0x4  }
0xe9: {  	v2 =	vshrl.u32 v1, $0x10  }
0xea: {  	v1 =	vand.u32 $0xFFFF, v1;
	[tilespmem:$0x4000] =	vst v2  }
0xeb: {  	[tilespmem:$0x4200] =	vst v1  }
0xec: {  	v1 =	vld [tilespmem:s12+$0x70];
	_ =	sdelay $0x4  }
0xed: {  	v2 =	vshrl.u32 v1, $0x10  }
0xee: {  	v1 =	vand.u32 $0xFFFF, v1;
	[tilespmem:$0x4010] =	vst v2  }
0xef: {  	[tilespmem:$0x4210] =	vst v1  }
0xf0: {  	v1 =	vld [tilespmem:s12+$0x80];
	_ =	sdelay $0x4  }
0xf1: {  	v2 =	vshrl.u32 v1, $0x10  }
0xf2: {  	v1 =	vand.u32 $0xFFFF, v1;
	[tilespmem:$0x4020] =	vst v2  }
0xf3: {  	[tilespmem:$0x4220] =	vst v1  }
0xf4: {  	v1 =	vld [tilespmem:s12+$0x90];
	_ =	sdelay $0x4  }
0xf5: {  	v2 =	vshrl.u32 v1, $0x10  }
0xf6: {  	v1 =	vand.u32 $0xFFFF, v1;
	[tilespmem:$0x4030] =	vst v2  }
0xf7: {  	[tilespmem:$0x4230] =	vst v1  }
0xf8: {  	v1 =	vld [tilespmem:s12+$0xA0];
	_ =	sdelay $0x4  }
0xf9: {  	v2 =	vshrl.u32 v1, $0x10  }
0xfa: {  	v1 =	vand.u32 $0xFFFF, v1;
	[tilespmem:$0x4040] =	vst v2  }
0xfb: {  	[tilespmem:$0x4240] =	vst v1  }
0xfc: {  	[tilespmem:s22], [sflag:$0x1] =	stream.indirect.gather [hbm4b:s1+s20], $0x80, s21, s20, $0xb8;
	v63 =	vld [tilespmem:$0x0]  }
0xfd: {  	_ =	swait.ge [sflag:s4], $0x2800  }
0xfe: {  	[sflag:s4] =	ssyncset.done $0x0  }
0xff: {  	[sflag:s4] =	ssyncadd.s32 $0xFFFFD800  }
0x100: {  	[spmem:s3] =	stream.indirect.scatter.add.f32 [tilespmem:s29], [sflag:$0x6], $0x80, s8, s20, $0xb8;
	v63 =	vld [tilespmem:$0x0]  }
0x101: {  	_ =	swait.ge [sflag:s10], $0x2800  }
0x102: {  	[sflag:s10] =	ssyncset.done $0x0  }
0x103: {  	[sflag:s10] =	ssyncadd.s32 $0xFFFFD800  }
0x104: {  	v1 =	vld [tilespmem:s12+$0xE0];
	_ =	sdelay $0x4  }
0x105: {  	v2 =	vshrl.u32 v1, $0x10  }
0x106: {  	v1 =	vand.u32 $0xFFFF, v1;
	[tilespmem:$0x4080] =	vst v2  }
0x107: {  	[tilespmem:$0x4280] =	vst v1  }
0x108: {  	v1 =	vld [tilespmem:s12+$0xF0];
	_ =	sdelay $0x4  }
0x109: {  	v2 =	vshrl.u32 v1, $0x10  }
0x10a: {  	v1 =	vand.u32 $0xFFFF, v1;
	[tilespmem:$0x4090] =	vst v2  }
0x10b: {  	[tilespmem:$0x4290] =	vst v1  }
0x10c: {  	v1 =	vld [tilespmem:s12+$0x100];
	_ =	sdelay $0x4  }
0x10d: {  	v2 =	vshrl.u32 v1, $0x10  }
0x10e: {  	v1 =	vand.u32 $0xFFFF, v1;
	[tilespmem:$0x40A0] =	vst v2  }
0x10f: {  	[tilespmem:$0x42A0] =	vst v1  }
0x110: {  	v1 =	vld [tilespmem:s12+$0x110];
	_ =	sdelay $0x4  }
0x111: {  	v2 =	vshrl.u32 v1, $0x10  }
0x112: {  	v1 =	vand.u32 $0xFFFF, v1;
	[tilespmem:$0x40B0] =	vst v2  }
0x113: {  	[tilespmem:$0x42B0] =	vst v1  }
0x114: {  	v1 =	vld [tilespmem:s12+$0x120];
	_ =	sdelay $0x1  }
0x115: {  	s11 =	sadd.s32 $0x1, s11  }
0x116: {  	p1 =	sne.s32 s11, $0x2A  }
.Ltmp9:
0x117: {  	_ = 	snop;
	(pc) =	sbr.rel @!p1 .LBB2_13-.Ltmp9, $4  }
0x118: {  	v2 =	vshrl.u32 v1, $0x10  }
0x119: {  	v1 =	vand.u32 $0xFFFF, v1;
	[tilespmem:$0x40C0] =	vst v2  }
0x11a: {  	s12 =	sadd.s32 $0x180, s12;
	[tilespmem:$0x42C0] =	vst v1  }
0x11b: {  	[tilespmem:s24], [sflag:$0x2] =	stream.indirect.gather [hbm4b:s1+s20], $0x80, s23, s20, $0xb8;
	v63 =	vld [tilespmem:$0x0]  }
.LBB2_9:
0x11c: {  	p1 =	seq.s32 s11, $0x0  }
.Ltmp10:
0x11d: {  	_ = 	snop;
	(pc) =	sbr.rel @p1 .LBB2_12-.Ltmp10, $4  }
0x11e: {  	_ =	swait.ge [sflag:s25], $0x2800  }
0x11f: {  	[sflag:s25] =	ssyncset.done $0x0  }
0x120: {  	[sflag:s25] =	ssyncadd.s32 $0xFFFFD800  }
0x121: {  	[spmem:s3] =	stream.indirect.scatter.add.f32 [tilespmem:s22], [sflag:$0x4], $0x80, s26, s20, $0xb8;
	v63 =	vld [tilespmem:$0x0]  }
0x122: {  	p1 =	seq.s32 s11, $0x29  }
.Ltmp11:
0x123: {  	_ = 	snop;
	(pc) =	sbr.rel @!p1 .LBB2_11-.Ltmp11, $4  }
.Ltmp12:
0x124: {  	_ = 	snop;
	(pc) =	sbr.rel @p1 .LBB2_15-.Ltmp12, $4  }
0x125: {  	_ = 	snop  }
0x126: {  	_ = 	snop  }
0x127: {  	_ = 	snop  }
0x128: {  	_ = 	snop  }
.LBB2_14:
0x129: {  	_ =	sfence.sel $0x180000  }
0x12a: {  	[bflag:$0x0] =	sbarrier.arrive $0xFFFF  }
0x12b: {  	_ =	strace $0x90000047  }
0x12c: {  	[bflag:$0x2] =	sbarrier.arrive $0xFFFF  }
0x12d: {  	p0 =	sne.s32 s2, $0x0;
	s0 =	rddreg [dreg:$0x3]  }
0x12e: {  	s0 =	sadd.s32 @!p0 $0x100000, s0  }
0x12f: {  	[sflag:s0] =	ssyncadd.tile.s32 @!p0 $0x1;
	_ =	shalt  }
.Lfunc_end2:
_tile_overlayer_lowered:
.L_overlay_start_2:
0x130: {  	(tag) =	ssettag $0x2  }
0x131: {  	s0 =	rddreg [dreg:$0x0];
	s2 =	stileid.u32  }
0x132: {  	s1 =	rddreg [dreg:$0x1];
	p0 =	sne.s32 s2, $0x0  }
0x133: {  	s3 =	rddreg [dreg:$0x2];
	[bflag:$0x3] =	sbarrier.arrive $0xFFFF;
	s2 =	simm.s32 @!p0 $0x1C09  }
0x134: {  	[timem:s3], [sflag:s2] =	dma.local @!p0 [hbm:s0], s1  }
0x135: {  	s0 =	simm.s32 @!p0 $0x9  }
0x136: {  	_ =	swait.ge @!p0 [sflag:s0], s1  }
0x137: {  	s1 =	ssub.s32 @!p0 $0x0, s1;
	[sflag:s0] =	ssyncset.done @!p0 $0x0  }
0x138: {  	[sflag:s0] =	ssyncadd.s32 @!p0 s1  }
0x139: {  	[bflag:$0x3] =	sbarrier.arrive $0xFFFF  }
0x13a: {  	_ =	shalt  }

</sc_bundles>
